<compile_context>
chip_gen: v7x
topology: tpu7x:2x2x1
jax: 0.10.2.dev20260603
libtpu: 0.0.44.dev20260713+nightly
codegen_flags: <defaults>
</compile_context>

<pallas_src>
import jax
import jax.numpy as jnp
from jax.experimental import pallas as pl

H = 128
W = 128
N = 1024
K = 16
THR = 0.01
ABSORP = 1.0
FOCAL = 100.0
PX = 64.0
PY = 64.0


def _rays():
    yy = (jnp.arange(H, dtype=jnp.float32) - PY) / FOCAL
    xx = (jnp.arange(W, dtype=jnp.float32) - PX) / FOCAL
    y, x = jnp.meshgrid(yy, xx, indexing='ij')
    d = jnp.stack([x, y, jnp.ones_like(x)], axis=-1)
    d = d / jnp.linalg.norm(d, axis=-1, keepdims=True)
    return d.reshape(-1, 3)


def _id_kernel(w_ref, o_ref):
    o_ref[...] = w_ref[...]


def kernel(verts, sigmas, R, T):
    rays = _rays()
    Rm = R[0]
    mu = verts[0] @ Rm + T[0]
    A = 2.0 * (jnp.swapaxes(Rm, 0, 1)[None] @ sigmas[0] @ Rm[None])
    a = jnp.einsum('pi,nij,pj->pn', rays, A, rays)
    b = jnp.einsum('pi,nij,nj->pn', rays, A, mu)
    c = jnp.einsum('ni,nij,nj->n', mu, A, mu)
    a_safe = jnp.maximum(a, 1e-8)
    t = b / a_safe
    q = jnp.maximum(c[None, :] - b * b / a_safe, 0.0)
    act = jnp.exp(-0.5 * q)
    valid = (act > THR) & (t > 0.0)
    masked = jnp.where(valid, act, 0.0)
    sel_act, sel_idx = jax.lax.top_k(masked, K)
    sel_len = jnp.take_along_axis(t, sel_idx, axis=1)
    sel_valid = sel_act > THR
    sort_key = jnp.where(sel_valid, sel_len, 1e9)
    order = jnp.argsort(sort_key, axis=1)
    s_act = jnp.take_along_axis(sel_act, order, axis=1)
    s_idx = jnp.take_along_axis(sel_idx, order, axis=1)
    s_len = jnp.take_along_axis(sel_len, order, axis=1)
    s_valid = jnp.take_along_axis(sel_valid, order, axis=1).astype(jnp.float32)
    alpha = jnp.clip(ABSORP * s_act, 0.0, 0.999) * s_valid
    trans = jnp.cumprod(1.0 - alpha, axis=1)
    trans = jnp.concatenate([jnp.ones((trans.shape[0], 1), dtype=jnp.float32), trans[:, :-1]], axis=1)
    w = alpha * trans
    w = pl.pallas_call(
        _id_kernel,
        out_shape=jax.ShapeDtypeStruct(w.shape, w.dtype),
    )(w)
    valid_num = jnp.sum(s_valid.astype(jnp.int32), axis=1)
    vert_weight = w.reshape(1, H, W, K)
    vert_index = s_idx.reshape(1, H, W, K)
    valid_num = valid_num.reshape(1, H, W)
    vert_hit_length = s_len.reshape(1, H, W, K)
    return vert_weight, vert_index, valid_num, vert_hit_length

# --- scband reference (transcript-rebuilt; emitter-appended) ---
"""Pipeline reference for scband-gaussian-renderer-59330678227366 (READ-ONLY COPY).

The authoritative reference and input builder live on the scoring server;
editing this copy changes nothing except your own understanding.
"""

import jax, jax.numpy as jnp
import numpy as np

H = 128
W = 128
N = 1024
K = 16
THR = 0.01
ABSORP = 1.0
FOCAL = 100.0
PX = 64.0
PY = 64.0


def setup_inputs(seed: int = 0) -> dict:
    key = jax.random.key(seed)
    k1, k2, k3 = jax.random.split(key, 3)
    verts = jax.random.normal(k1, (1, N, 3), dtype=jnp.float32) * 1.5
    L = jax.random.normal(k2, (1, N, 3, 3), dtype=jnp.float32) * 0.3
    # sigmas are per-gaussian (inverse-covariance style) SPD matrices
    sigmas = L @ jnp.swapaxes(L, -1, -2) + 2.0 * jnp.eye(3, dtype=jnp.float32)
    R = jnp.eye(3, dtype=jnp.float32)[None]
    T = jnp.array([[0.0, 0.0, 5.0]], dtype=jnp.float32)
    return {"verts": verts, "sigmas": sigmas, "R": R, "T": T}


def _get_ray_camera_space():
    # get_ray_camera_space(map_size, principal, focal): unit ray dirs per pixel
    yy = (jnp.arange(H, dtype=jnp.float32) - PY) / FOCAL
    xx = (jnp.arange(W, dtype=jnp.float32) - PX) / FOCAL
    y, x = jnp.meshgrid(yy, xx, indexing='ij')
    d = jnp.stack([x, y, jnp.ones_like(x)], axis=-1)
    d = d / jnp.linalg.norm(d, axis=-1, keepdims=True)
    return d.reshape(-1, 3)  # [HW, 3]


def _forward(verts, sigmas, R, T):
    rays = _get_ray_camera_space()                      # [HW, 3]
    Rm = R[0]                                           # [3, 3]
    # world-to-view transform_points (row-vector convention)
    mu = verts[0] @ Rm + T[0]                           # [N, 3]
    # isigma = 2 * R^T @ sigma @ R (inverse_sigma=False branch)
    A = 2.0 * (jnp.swapaxes(Rm, 0, 1)[None] @ sigmas[0] @ Rm[None])  # [N, 3, 3]
    # ray_tracing: per (pixel, gaussian) peak activation along ray t*r
    a = jnp.einsum('pi,nij,pj->pn', rays, A, rays)      # r^T A r  [HW, N]
    b = jnp.einsum('pi,nij,nj->pn', rays, A, mu)        # r^T A mu [HW, N]
    c = jnp.einsum('ni,nij,nj->n', mu, A, mu)           # mu^T A mu [N]
    a_safe = jnp.maximum(a, 1e-8)
    t = b / a_safe                                      # peak depth along ray
    q = jnp.maximum(c[None, :] - b * b / a_safe, 0.0)
    act = jnp.exp(-0.5 * q)                             # peak activation
    valid = (act > THR) & (t > 0.0)
    masked = jnp.where(valid, act, 0.0)
    sel_act, sel_idx = jax.lax.top_k(masked, K)         # n_assign = max_assign
    sel_len = jnp.take_along_axis(t, sel_idx, axis=1)
    sel_dsd = jnp.take_along_axis(a, sel_idx, axis=1)
    sel_valid = sel_act > THR
    # aggregation: front-to-back alpha compositing by hit length
    sort_key = jnp.where(sel_valid, sel_len, 1e9)
    order = jnp.argsort(sort_key, axis=1)
    s_act = jnp.take_along_axis(sel_act, order, axis=1)
    s_idx = jnp.take_along_axis(sel_idx, order, axis=1)
    s_len = jnp.take_along_axis(sel_len, order, axis=1)
    s_valid = jnp.take_along_axis(sel_valid, order, axis=1).astype(jnp.float32)
    alpha = jnp.clip(ABSORP * s_act, 0.0, 0.999) * s_valid
    trans = jnp.cumprod(1.0 - alpha, axis=1)
    trans = jnp.concatenate([jnp.ones((trans.shape[0], 1), dtype=jnp.float32), trans[:, :-1]], axis=1)
    w = alpha * trans
    valid_num = jnp.sum(s_valid.astype(jnp.int32), axis=1)
    vert_weight = w.reshape(1, H, W, K)
    vert_index = s_idx.reshape(1, H, W, K)
    valid_num = valid_num.reshape(1, H, W)
    vert_hit_length = s_len.reshape(1, H, W, K)
    return vert_weight, vert_index, valid_num, vert_hit_length


def reference(verts, sigmas, R, T):
    # returns Fragments fields: (vert_weight, vert_index, valid_num, vert_hit_length)
    return _forward(verts, sigmas, R, T)

if __name__ == "__main__":
    import jax
    _d = setup_inputs()
    print(jax.jit(kernel)(*tuple(_d.values())))

</pallas_src>

<mosaic_0001>
module attributes {stable_mosaic.version = 14 : i64} {
  func.func @_id_kernel(%arg0: memref<16384x16xf32, #tpu.memory_space<vmem>>, %arg1: memref<16384x16xf32, #tpu.memory_space<vmem>>) attributes {dimension_semantics = [], scalar_prefetch = 0 : i64, scratch_operands = 0 : i64, tpu.core_type = #tpu.core_type<tc>} {
    %get3A = arith.constant 0 : index
    %get3A_0 = arith.constant 0 : index
    %get3A_1 = vector.load %arg0[%get3A, %get3A_0] : memref<16384x16xf32, #tpu.memory_space<vmem>>, vector<16384x16xf32>
    %swap3A = arith.constant 0 : index
    %swap3A_2 = arith.constant 0 : index
    %swap3A_3 = vector.load %arg1[%swap3A, %swap3A_2] : memref<16384x16xf32, #tpu.memory_space<vmem>>, vector<16384x16xf32>
    tpu.vector_store %arg1[%swap3A, %swap3A_2], %get3A_1 {strides = array<i32>} : memref<16384x16xf32, #tpu.memory_space<vmem>>, vector<16384x16xf32>,
    return
  }
}

</mosaic_0001>

<sc_bundles>
// kernel: gather_offload_async_start.1
scs
__scs_entry_jumppad:
0x0: {  	(pc) =	sbr.rel $0x88, $3  }
0x1: {  	(tag) =	ssettag $0x0;
	lr =	simm.s32 $0x1  }
0x2: {  	[smem:$0x3F9D] =	sst lr;
	_ =	strace $0xD0000000  }
0x3: {  	_ = 	snop  }
0x4: {  	_ = 	snop  }
0x5: {  	_ = 	snop  }
0x6: {  	_ = 	snop  }
0x7: {  	_ = 	snop  }
__scs_overlays_trampoline_lowered:
0x8: {  	[smem:$0x3FAC] =	sst s0  }
0x9: {  	[smem:$0x3FAD] =	sst s1  }
0xa: {  	[smem:$0x3FAE] =	sst s2  }
0xb: {  	[smem:$0x3FAF] =	sst s3  }
0xc: {  	[smem:$0x3FB0] =	sst s4  }
0xd: {  	[smem:$0x3FB1] =	sst s5  }
0xe: {  	[smem:$0x3FB2] =	sst s6  }
0xf: {  	[smem:$0x3FB3] =	sst s7  }
0x10: {  	[smem:$0x3FB4] =	sst s8  }
0x11: {  	[smem:$0x3FB5] =	sst s9;
	s0 =	simm.s32 @!p0 $0x0  }
0x12: {  	s1 =	sld [smem:$0x3F9B];
	s0 =	simm.s32 @p0 $0x1  }
0x13: {  	[smem:$0x3FB6] =	sst s0;
	s0 =	simm.s32 @!p1 $0x0  }
0x14: {  	s2 =	sld [smem:$0x3F9A];
	s0 =	simm.s32 @p1 $0x1  }
0x15: {  	[smem:$0x3FB7] =	sst s0;
	s0 =	simm.s32 @!p2 $0x0  }
0x16: {  	s3 =	sld [smem:$0x3FDB];
	s0 =	simm.s32 @p2 $0x1  }
0x17: {  	s4 =	simm.s32 $0x1BF5;
	[smem:$0x3FB9] =	sst s0  }
0x18: {  	s0 =	sld [smem:$0x3F9C];
	_ =	swait.ge [sflag:s4], $0x0  }
0x19: {  	s7 =	sld [smem:$0x3F9D]  }
0x1a: {  	s8 =	sadd.s32 $0xFFFFE003, lr  }
0x1b: {  	s9 =	sadd.s32 $0xFFFFFEF7, lr;
	s5 =	simm.s32 $0xFFFFFFFF;
	p2 =	slt.u32 s8, $0xFFFFF086  }
0x1c: {  	p1 =	slt.u32 s9, $0xF7A;
	s5 =	simm.s32 @!p2 $0x0  }
0x1d: {  	s5 =	simm.s32 @p1 $0x1;
	p0 =	seq.s32 s7, s2  }
0x1e: {  	s7 =	smul.u32 @!p0 $0xF7A, s2;
	p2 =	seq.s32 @!p0 s5, $0x0  }
0x1f: {  	s9 =	smul.u32 $0xF7A, s1;
	s8 =	simm.s32 @!p0 $0x1BF5;
	p2 =	por !p2, p0  }
0x20: {  	[sflag:s8] =	ssyncset.s32 @!p0 $0xFFFFF086;
	s6 =	sadd.s32 @!p0 s3, s7;
	s7 =	simm.s32 @!p0 $0x108  }
0x21: {  	s3 =	sadd.s32 s3, s9;
	s6 =	sadd.s32 @!p0 $0x88, s6;
	s7 =	simm.s32 @p2 $0x1082  }
0x22: {  	[simem:s7], [sflag:s8] =	dma.local @!p0 [hbm:s6], $0xF7A  }
0x23: {  	s9 =	sor.u32 $0xD0000000, s2;
	s6 =	simm.s32 $0x108;
	_ =	swait.ge @!p0 [sflag:s8], $0x0  }
0x24: {  	s3 =	sadd.s32 $0x88, s3;
	s6 =	simm.s32 @!p1 $0x1082;
	[sflag:s4] =	ssyncset.s32 $0xFFFFF086  }
0x25: {  	[simem:s6], [sflag:s4] =	dma.local [hbm:s3], $0xF7A  }
0x26: {  	[smem:$0x3F9D] =	sst s1;
	(tag) =	ssettag s2;
	_ =	strace s9  }
0x27: {  	s1 =	sld [smem:$0x3FAD]  }
0x28: {  	s2 =	sld [smem:$0x3FAE]  }
0x29: {  	s4 =	sld [smem:$0x3FB0]  }
0x2a: {  	p0 =	seq.s32 s5, $0x0;
	s5 =	sld [smem:$0x3FB1]  }
0x2b: {  	s6 =	sld [smem:$0x3FB2]  }
0x2c: {  	s7 =	sld [smem:$0x3FB3]  }
0x2d: {  	s3 =	simm.s32 $0x108;
	s8 =	sld [smem:$0x3FB4]  }
0x2e: {  	s3 =	simm.s32 @!p0 $0x1082;
	s9 =	sld [smem:$0x3FB5]  }
0x2f: {  	lr =	sadd.s32 s0, s3;
	s0 =	sld [smem:$0x3FAC]  }
0x30: {  	s3 =	sld [smem:$0x3FAF]  }
0x31: {  	[smem:$0x3FB8] =	sst s10  }
0x32: {  	s10 =	sld [smem:$0x3FB6];
	_ =	sdelay $0x3  }
0x33: {  	p0 =	seq.s32 s10, $0x1;
	s10 =	sld [smem:$0x3FB8];
	_ =	sdelay $0x3  }
0x34: {  	[smem:$0x3FB8] =	sst s10  }
0x35: {  	s10 =	sld [smem:$0x3FB7];
	_ =	sdelay $0x3  }
0x36: {  	p1 =	seq.s32 s10, $0x1;
	s10 =	sld [smem:$0x3FB8];
	_ =	sdelay $0x3  }
0x37: {  	[smem:$0x3FB8] =	sst s10  }
0x38: {  	s10 =	sld [smem:$0x3FB9]  }
0x39: {  	_ = 	snop;
	(pc) =	sbr.ind lr, $3  }
0x3a: {  	_ = 	snop  }
0x3b: {  	_ = 	snop  }
0x3c: {  	p2 =	seq.s32 s10, $0x1;
	s10 =	sld [smem:$0x3FB8]  }
0x3d: {  	_ =	shalt  }
0x3e: {  	_ =	shalt  }
0x3f: {  	_ =	shalt  }
0x40: {  	_ =	shalt  }
0x41: {  	_ =	shalt  }
0x42: {  	_ =	shalt  }
0x43: {  	_ =	shalt  }
0x44: {  	_ =	shalt  }
0x45: {  	_ =	shalt  }
0x46: {  	_ =	shalt  }
0x47: {  	_ =	shalt  }
0x48: {  	_ =	shalt  }
0x49: {  	_ =	shalt  }
0x4a: {  	_ =	shalt  }
0x4b: {  	_ =	shalt  }
0x4c: {  	_ =	shalt  }
0x4d: {  	_ =	shalt  }
0x4e: {  	_ =	shalt  }
0x4f: {  	_ =	shalt  }
0x50: {  	_ =	shalt  }
0x51: {  	_ =	shalt  }
0x52: {  	_ =	shalt  }
0x53: {  	_ =	shalt  }
0x54: {  	_ =	shalt  }
0x55: {  	_ =	shalt  }
0x56: {  	_ =	shalt  }
0x57: {  	_ =	shalt  }
0x58: {  	_ =	shalt  }
0x59: {  	_ =	shalt  }
0x5a: {  	_ =	shalt  }
0x5b: {  	_ =	shalt  }
0x5c: {  	_ =	shalt  }
0x5d: {  	_ =	shalt  }
0x5e: {  	_ =	shalt  }
0x5f: {  	_ =	shalt  }
0x60: {  	_ =	shalt  }
0x61: {  	_ =	shalt  }
0x62: {  	_ =	shalt  }
0x63: {  	_ =	shalt  }
0x64: {  	_ =	shalt  }
0x65: {  	_ =	shalt  }
0x66: {  	_ =	shalt  }
0x67: {  	_ =	shalt  }
0x68: {  	_ =	shalt  }
0x69: {  	_ =	shalt  }
0x6a: {  	_ =	shalt  }
0x6b: {  	_ =	shalt  }
0x6c: {  	_ =	shalt  }
0x6d: {  	_ =	shalt  }
0x6e: {  	_ =	shalt  }
0x6f: {  	_ =	shalt  }
0x70: {  	_ =	shalt  }
0x71: {  	_ =	shalt  }
0x72: {  	_ =	shalt  }
0x73: {  	_ =	shalt  }
0x74: {  	_ =	shalt  }
0x75: {  	_ =	shalt  }
0x76: {  	_ =	shalt  }
0x77: {  	_ =	shalt  }
0x78: {  	_ =	shalt  }
0x79: {  	_ =	shalt  }
0x7a: {  	_ =	shalt  }
0x7b: {  	_ =	shalt  }
0x7c: {  	_ =	shalt  }
0x7d: {  	_ =	shalt  }
0x7e: {  	_ =	shalt  }
0x7f: {  	_ =	shalt  }
0x80: {  	_ =	shalt  }
0x81: {  	_ =	shalt  }
0x82: {  	_ =	shalt  }
0x83: {  	_ =	shalt  }
0x84: {  	_ =	shalt  }
0x85: {  	_ =	shalt  }
0x86: {  	_ =	shalt  }
0x87: {  	_ =	shalt  }
.Lfunc_end0:
.L_simem_size_0:
called_computation.1_lowered:
.L_overlay_start_0:
0x88: {  	s2 =	sld [smem:$0x3FD9]  }
0x89: {  	s3 =	sld [smem:$0x3FFE];
	_ =	sdelay $0x1  }
0x8a: {  	s1 =	srdreg.scid  }
0x8b: {  	s0 =	sand.u32 $0x1, s1  }
0x8c: {  	s14 =	sshll.u32 s0, $0xA;
	s2 =	sadd.s32 s3, s2  }
0x8d: {  	s2 =	sadd.s32 s2, s14  }
0x8e: {  	[smem:$0x3FC4] =	sst s2  }
0x8f: {  	_ = 	snop  }
0x90: {  	s2 =	sld [smem:$0x3FD0];
	_ =	sdelay $0x2  }
0x91: {  	s15 =	simm.s32 $0xA;
	s4 =	simm.s32 $0x10  }
0x92: {  	[smem:s4], [sflag:s15] =	dma.local [hbm:s2], $0x1  }
0x93: {  	_ =	swait.eq [sflag:s15], $0x1  }
0x94: {  	[sflag:s15] =	ssyncset.done $0x0  }
0x95: {  	s16 =	sld [smem:$0x11];
	[sflag:s15] =	ssyncadd.s32 $0xFFFFFFFF  }
0x96: {  	s17 =	sld [smem:$0x13];
	(tm) =	ssettm $0x1  }
0x97: {  	s18 =	sld [smem:$0x3FFB];
	_ =	sdelay $0x3  }
0x98: {  	_ =	strace s18  }
0x99: {  	s4 =	sld [smem:$0x3FFC];
	_ =	sdelay $0x3  }
0x9a: {  	_ =	strace s4  }
0x9b: {  	s4 =	sld [smem:$0x3FFD];
	_ =	sdelay $0x3  }
0x9c: {  	_ =	strace s4  }
0x9d: {  	_ =	strace $0x8FFFFFFF  }
0x9e: {  	s19 =	sld [smem:$0x3FDB];
	_ =	sdelay $0x1  }
0x9f: {  	s5 =	simm.s32 $_scs_section_size  }
0xa0: {  	s6 =	simm.s32 $_size__tile_overlayer_lowered;
	s7 =	simm.s32 $_tile_overlayer_lowered  }
0xa1: {  	s22 =	simm.s32 $0x1BFF;
	s21 =	sshll.u32 s7, $0x1;
	s4 =	sadd.s32 s5, s19  }
0xa2: {  	s8 =	simm.s32 $0x0;
	s20 =	sshll.u32 s6, $0x1;
	s6 =	sadd.s32 s21, s4  }
0xa3: {  	[timem:s8], [sflag:s22] =	dma.local [hbm:s6], s20  }
0xa4: {  	_ =	swait.ge [sflag:s22], s20  }
0xa5: {  	s5 =	ssub.s32 $0x0, s20;
	[sflag:s22] =	ssyncset.done $0x0  }
0xa6: {  	[sflag:s22] =	ssyncadd.s32 s5;
	_ =	sdelay $0x1  }
0xa7: {  	s23 =	simm.s32 $0x1B8B  }
0xa8: {  	_ =	swait.ge [sflag:s23], $0x1  }
0xa9: {  	[sflag:s23] =	ssyncset.done $0x0  }
0xaa: {  	s25 =	simm.s32 $0x1B8E;
	s24 =	sld [smem:$0x3FFE];
	[sflag:s23] =	ssyncadd.s32 $0xFFFFFFFF  }
0xab: {  	s26 =	simm.s32 $execute0_lowered;
	[smem:$0x3FD2] =	sst s25  }
0xac: {  	s6 =	sshll.u32 s26, $0x1;
	_ =	strace $0x80000049;
	[dreg:$0x1] =	wrdreg $0xFFFFFFFF  }
0xad: {  	s28 =	simm.s32 $_size_execute0_lowered;
	s4 =	sadd.s32 s4, s6;
	[dreg:$0x0] =	wrdreg $0x0  }
0xae: {  	s6 =	sshll.u32 s28, $0x1;
	[dreg:$0x2] =	wrdreg s4  }
0xaf: {  	[dreg:$0x3] =	wrdreg s6  }
0xb0: {  	[dreg:$0x4] =	wrdreg $0xC0  }
0xb1: {  	_ =	task [dreg:s8], $0x5FFFF  }
0xb2: {  	[dreg:$0x1] =	wrdreg $0xFFFFFFFF  }
0xb3: {  	[dreg:$0x0] =	wrdreg $0x60  }
0xb4: {  	[dreg:$0x2] =	wrdreg s24  }
0xb5: {  	[dreg:$0x3] =	wrdreg s17  }
0xb6: {  	[dreg:$0x4] =	wrdreg s16  }
0xb7: {  	[dreg:$0x5] =	wrdreg $0x9  }
0xb8: {  	_ =	task.clear_ibuf [dreg:s8], $0x6FFFF;
	_ =	strace $0x90000049  }
0xb9: {  	s29 =	simm.s32 $0x9;
	_ =	strace $0x8000004B  }
0xba: {  	_ =	swait.ge [sflag:s29], $0x1  }
0xbb: {  	[sflag:s29] =	ssyncadd.s32 $0xFFFFFFFF  }
0xbc: {  	_ =	strace $0x9000004B  }
0xbd: {  	_ =	sfence  }
0xbe: {  	s30 =	sld [smem:$0x0];
	_ =	sdelay $0x2  }
0xbf: {  	s31 =	sshll.u32 s1, $0xD;
	s1 =	sshrl.u32 s1, $0x2  }
0xc0: {  	s3 =	sand.u32 $0x4000, s31;
	s1 =	sadd.s32 s1, s30  }
0xc1: {  	s0 =	sor.u32 s3, s0;
	s1 =	sshll.u32 s1, $0x11  }
0xc2: {  	s0 =	sor.u32 s1, s0  }
0xc3: {  	s0 =	sadd.s32 $0x8F2B, s0  }
0xc4: {  	[sflag:s0] =	ssyncadd.remote.s32 $0x1  }
0xc5: {  	_ =	sfence.sel $0xFFFF  }
0xc6: {  	[dreg:$0x0] =	wrdreg $0xFFFFFFFF;
	(pc) =	sbr.abs _section_cstart, $3  }
0xc7: {  	[dreg:$0x1] =	wrdreg $0xFFFFFFFF  }
0xc8: {  	_ =	task.clear_ibuf [dreg:s8], $0x2FFFF;
	_ =	strace $0x9FFFFFFF  }
0xc9: {  	(tm) =	ssettm $0x7FFFFFFF  }
tec
execute0_lowered:
.L_overlay_start_1:
0x0: {  	(tag) =	ssettag $0x1  }
0x1: {  	s1 =	rddreg [dreg:$0x0]  }
0x2: {  	s2 =	rddreg [dreg:$0x1]  }
0x3: {  	s3 =	rddreg [dreg:$0x2]  }
0x4: {  	s0 =	rddreg [dreg:$0x3];
	_ =	strace $0x8000004A;
	s5 =	simm.s32 $0x1  }
0x5: {  	s6 =	srdreg.scid;
	s9 =	simm.s32 $0x4;
	s13 =	simm.s32 $0x0  }
0x6: {  	s10 =	simm.s32 $0x0;
	s4 =	sadd.s32 $0x40000, s1;
	s31 =	sshll.u32 s6, $0x4  }
.Ltmp0:
0x7: {  	s1 =	stileid.u32;
	s6 =	sand.u32 $0x10, s31;
	(pc) =	sbr.rel .LBB2_1-.Ltmp0, $4  }
0x8: {  	[sflag:s5] =	ssyncpa.u1 $0x0;
	s5 =	simm.s32 $0x2;
	s7 =	sor.u32 s1, s6  }
0x9: {  	[sflag:s5] =	ssyncpa.u1 $0x0;
	s6 =	simm.s32 $0x3;
	s7 =	sshll.u32 s7, $0xD  }
0xa: {  	s11 =	simm.s32 $0x0;
	[sflag:s6] =	ssyncpa.u1 $0x0;
	s8 =	sadd.s32 $0x2000, s7  }
0xb: {  	v0 =	vlaneseq.u32;
	vm0 =	vmmov $0xffff;
	[sflag:s9] =	ssyncpa.u1 $0x0;
	s9 =	simm.s32 $0x0;
	s12 =	smov.u32 s7  }
.LBB2_3:
0xc: {  	s13 =	sshrl.u32 s12, $0x3  }
0xd: {  	s14 =	sand.u32 $0x7, s12;
	s13 =	sadd.s32 s2, s13  }
0xe: {  	[tilespmem:s9], [sflag:$0x2] =	stream.linear.gather [hbm4b:s13+s14], $0x2000, $0x38;
	[tilespmem:$0xB000] =	vst v63  }
.LBB2_10:
0xf: {  	s14 =	sadd.s32 $0x2000, s12  }
0x10: {  	s15 =	smov.u32 s7;
	p0 =	slt.s32 s14, s8  }
0x11: {  	s13 =	smov.u32 s10;
	s15 =	smov.u32 @p0 s14  }
0x12: {  	s10 =	smov.u32 s12;
	s11 =	sadd.s32 $0x1, s11;
	s12 =	smov.u32 s15  }
.LBB2_1:
0x13: {  	p0 =	sgt.s32 s11, $0x1  }
.Ltmp1:
0x14: {  	_ = 	snop;
	(pc) =	sbr.rel @p0 .LBB2_11-.Ltmp1, $1  }
0x15: {  	_ =	sdelay $0x3  }
0x16: {  	p0 =	seq.s32 s11, $0x0  }
.Ltmp2:
0x17: {  	_ = 	snop;
	(pc) =	sbr.rel @p0 .LBB2_3-.Ltmp2, $1  }
0x18: {  	_ =	sdelay $0x3  }
0x19: {  	_ =	swait.ge [sflag:s5], $0x2000  }
0x1a: {  	s15 =	simm.s32 $0x0;
	[sflag:s5] =	ssyncset.done $0x0  }
0x1b: {  	[sflag:s5] =	ssyncadd.s32 $0xFFFFE000;
	(ifvalue) =	ssetifvalue $0x7FFFFFFF;
	v1 =	vld.msk [tilespmem:s15+$0x0 ss:$0x1], $0xffff;
	_ =	sdelay $0x4  }
0x1c: {  	s16 =	ssub.s32 $0x40000, s10;
	vm1 =	veq.s32 v1, $0x80000000;
	v2 =	vand.u32 $0x3FFF, v1;
	v1 =	vshrl.u32 v1, $0xE  }
0x1d: {  	s13 =	simm.s32 $0x10;
	p0 =	slt.s32 s16, $0x2000;
	v3 =	vsel vm1, $0xFFFFFFFF, v2;
	v1 =	vand.u32 $0xF, v1  }
0x1e: {  	s16 =	simm.s32 @!p0 $0x2000;
	v6 =	vld.msk [tilespmem:s13+$0x0 ss:$0x1], $0xffff;
	v1 =	vsel vm1, $0xFFFFFFFF, v1;
	v2 =	vshll.u32 v3, $0x7  }
0x1f: {  	p0 =	sgt.s32 s16, $0x0;
	s14 =	smov.u32 s16;
	v4 =	vand.u32 $0xFFFFFC00, v2;
	v5 =	vand.u32 $0xFFFFFC00, v1  }
0x20: {  	s14 =	simm.s32 @!p0 $0x0;
	v2 =	vand.u32 $0x200, v2;
	v1 =	vshll.u32 v1, $0x2;
	v4 =	vadd.s32 v5, v4  }
0x21: {  	s14 =	smin.u32 s14, $0x10;
	v1 =	vand.u32 $0x1FC, v1;
	v2 =	vor.u32 v2, v4  }
0x22: {  	v4 =	vmov s14;
	v1 =	vor.u32 v1, v2  }
0x23: {  	v5 =	vshrl.u32 v6, $0xE;
	vm1 =	vgt.u32 v4, v0;
	v1 =	vshrl.u32 v1, $0x2  }
0x24: {  	s14 =	simm.s32 $0x20;
	v4 =	vnsel vm1, $0x7FFFFFFF, v1;
	vm1 =	veq.s32 v6, $0x80000000;
	v1 =	vand.u32 $0x3FFF, v6  }
0x25: {  	s16 =	sadd.s32 $0xFFFFFFF0, s16;
	v5 =	vand.u32 $0xF, v5;
	v2 =	vld.msk [tilespmem:s14+$0x0 ss:$0x1], $0xffff;
	v1 =	vsel vm1, $0xFFFFFFFF, v1  }
0x26: {  	p0 =	sgt.s32 s16, $0x0;
	s17 =	smov.u32 s16;
	v3 =	vand.u32 $0x3, v3;
	v5 =	vsel vm1, $0xFFFFFFFF, v5;
	v63 =	vshll.u32 v1, $0x7  }
0x27: {  	s17 =	simm.s32 @!p0 $0x0;
	[tilespmem:s15+$0x0] =	vst v3;
	v7 =	vand.u32 $0xFFFFFC00, v5;
	v3 =	vand.u32 $0xFFFFFC00, v63  }
0x28: {  	s17 =	smin.u32 s17, $0x10;
	s15 =	simm.s32 $0x6000;
	(ifvalue) =	ssetifvalue $0x7FFFFFFF;
	v5 =	vshll.u32 v5, $0x2;
	v6 =	vand.u32 $0x200, v63;
	v3 =	vadd.s32 v7, v3  }
0x29: {  	v5 =	vand.u32 $0x1FC, v5;
	[tilespmem:s15], [sflag:$0x3] =	stream.indirect_vreg.gather [hbm4b:s4+s9], $0x1, v4, vm0, $0x4038;
	v4 =	vmov s17;
	v3 =	vor.u32 v6, v3;
	[tilespmem:$0xB000] =	vst v63  }
0x2a: {  	s18 =	simm.s32 $0x30;
	vm2 =	veq.s32 v2, $0x80000000;
	s17 =	simm.s32 $0x20;
	vm1 =	vgt.u32 v4, v0;
	v3 =	vor.u32 v5, v3  }
.LBB2_5:
0x2b: {  	s19 =	smov.u32 s13  }
0x2c: {  	v4 =	vand.u32 $0x3FFF, v2;
	v5 =	vshrl.u32 v2, $0xE;
	v2 =	vld.msk [tilespmem:s18+$0x0 ss:$0x1], $0xffff;
	v3 =	vshrl.u32 v3, $0x2;
	s13 =	smov.u32 s14;
	s14 =	smov.u32 s18;
	s17 =	sadd.s32 $0x10, s17  }
0x2d: {  	s16 =	sadd.s32 $0xFFFFFFF0, s16;
	v4 =	vsel vm2, $0xFFFFFFFF, v4;
	v5 =	vand.u32 $0xF, v5;
	v6 =	vnsel vm1, $0x7FFFFFFF, v3;
	p0 =	slt.u32 s17, $0x1FF0  }
.Ltmp3:
0x2e: {  	p1 =	sgt.s32 s16, $0x0;
	s20 =	smov.u32 s16;
	v3 =	vsel vm2, $0xFFFFFFFF, v5;
	v5 =	vshll.u32 v4, $0x7;
	(pc) =	sbr.rel @p0 .LBB2_5-.Ltmp3, $4  }
0x2f: {  	v9 =	vand.u32 $0x3, v1;
	s20 =	simm.s32 @!p1 $0x0;
	v1 =	vmovc v4;
	v7 =	vand.u32 $0xFFFFFC00, v5;
	v8 =	vand.u32 $0xFFFFFC00, v3  }
0x30: {  	s20 =	smin.u32 s20, $0x10;
	v5 =	vand.u32 $0x200, v5;
	v3 =	vshll.u32 v3, $0x2;
	v4 =	vadd.s32 v8, v7  }
0x31: {  	s18 =	sadd.s32 $0x10, s18;
	s15 =	sadd.s32 $0x10, s15;
	v7 =	vmov s20;
	v3 =	vand.u32 $0x1FC, v3;
	v4 =	vor.u32 v5, v4;
	[tilespmem:s19+$0x0] =	vst v9;
	(ifvalue) =	ssetifvalue $0x7FFFFFFF  }
0x32: {  	vm2 =	veq.s32 v2, $0x80000000;
	vm1 =	vgt.u32 v7, v0;
	v3 =	vor.u32 v3, v4;
	[tilespmem:s15], [sflag:$0x3] =	stream.indirect_vreg.gather [hbm4b:s4+s9], $0x1, v6, vm0, $0x4038;
	[tilespmem:$0xB000] =	vst v63  }
0x33: {  	v4 =	vand.u32 $0x3FFF, v2;
	v2 =	vshrl.u32 v2, $0xE  }
0x34: {  	v4 =	vsel vm2, $0xFFFFFFFF, v4;
	v2 =	vand.u32 $0xF, v2  }
0x35: {  	s16 =	sadd.s32 $0xFFFFFFF0, s16;
	v2 =	vsel vm2, $0xFFFFFFFF, v2;
	v5 =	vshll.u32 v4, $0x7  }
0x36: {  	p0 =	sgt.s32 s16, $0x0;
	v6 =	vand.u32 $0xFFFFFC00, v5;
	v7 =	vand.u32 $0xFFFFFC00, v2  }
0x37: {  	s16 =	simm.s32 @!p0 $0x0;
	v5 =	vand.u32 $0x200, v5;
	v2 =	vshll.u32 v2, $0x2;
	v6 =	vadd.s32 v7, v6  }
0x38: {  	v3 =	vshrl.u32 v3, $0x2;
	s16 =	smin.u32 s16, $0x10;
	v2 =	vand.u32 $0x1FC, v2;
	v5 =	vor.u32 v5, v6  }
0x39: {  	v3 =	vnsel vm1, $0x7FFFFFFF, v3;
	v63 =	vmov s16;
	v2 =	vor.u32 v2, v5  }
0x3a: {  	vm1 =	vgt.u32 v63, v0;
	v2 =	vshrl.u32 v2, $0x2  }
0x3b: {  	v2 =	vnsel vm1, $0x7FFFFFFF, v2  }
.Ltmp4:
0x3c: {  	v1 =	vand.u32 $0x3, v1;
	(pc) =	sbr.rel .LBB2_10-.Ltmp4, $4  }
0x3d: {  	s31 =	sadd.s32 $0x10, s15;
	[tilespmem:s13+$0x0] =	vst v1;
	(ifvalue) =	ssetifvalue $0x7FFFFFFF  }
0x3e: {  	v1 =	vand.u32 $0x3, v4;
	[tilespmem:s31], [sflag:$0x3] =	stream.indirect_vreg.gather [hbm4b:s4+s9], $0x1, v3, vm0, $0x4038;
	[tilespmem:$0xB000] =	vst v63  }
0x3f: {  	s13 =	sadd.s32 $0x10, s31;
	[tilespmem:s14+$0x0] =	vst v1;
	(ifvalue) =	ssetifvalue $0x7FFFFFFF  }
0x40: {  	[tilespmem:s13], [sflag:$0x3] =	stream.indirect_vreg.gather [hbm4b:s4+s9], $0x1, v2, vm0, $0x4038;
	[tilespmem:$0xB000] =	vst v63  }
.LBB2_11:
0x41: {  	p0 =	seq.s32 s11, $0x2  }
.Ltmp5:
0x42: {  	_ = 	snop;
	(pc) =	sbr.rel @!p0 .LBB2_12-.Ltmp5, $1  }
0x43: {  	_ =	sdelay $0x3  }
0x44: {  	s15 =	sshll.u32 s11, $0xF  }
0x45: {  	s14 =	sand.u32 $0x1, s11;
	s15 =	sshra.s32 s15, $0x2  }
0x46: {  	s16 =	sshll.u32 s14, $0xD;
	s17 =	sadd.s32 $0xFFFFC000, s15  }
0x47: {  	s16 =	sadd.s32 $0x6000, s16;
	v2 =	vmov s17  }
0x48: {  	_ =	swait.ge [sflag:s6], $0x2000;
	s14 =	sshll.u32 s14, $0xB;
	v1 =	vmov s16  }
0x49: {  	[sflag:s6] =	ssyncset.done $0x0;
	s14 =	sor.u32 $0xA000, s14  }
0x4a: {  	[sflag:s6] =	ssyncadd.s32 $0xFFFFE000;
	s15 =	simm.s32 $0x0;
	v3 =	vmov s14  }
.LBB2_8:
0x4b: {  	s16 =	sshll.u32 s15, $0x9  }
0x4c: {  	s17 =	sand.u32 $0x3FFFFE00, s16;
	v5 =	vld.idx.msk [tilespmem:v2+s16+$0x0 ss:$0x1], $0xffff  }
0x4d: {  	s23 =	sor.u32 $0x80, s16;
	v4 =	vld.idx.msk [tilespmem:v1+s17+$0x0 ss:$0x1], $0xffff  }
0x4e: {  	v6 =	vld.idx.msk [tilespmem:v1+s23+$0x0 ss:$0x1], $0xffff  }
0x4f: {  	s18 =	sor.u32 $0x100, s16;
	v7 =	vld.idx.msk [tilespmem:v2+s23+$0x0 ss:$0x1], $0xffff  }
0x50: {  	v8 =	vld.idx.msk [tilespmem:v2+s18+$0x0 ss:$0x1], $0xffff  }
0x51: {  	s20 =	sor.u32 $0x180, s16;
	v9 =	vld.idx.msk [tilespmem:v1+s18+$0x0 ss:$0x1], $0xffff  }
0x52: {  	v10 =	vld.idx.msk [tilespmem:v2+s20+$0x0 ss:$0x1], $0xffff;
	_ =	sdelay $0x1  }
0x53: {  	v11 =	vld.idx.msk [tilespmem:v1+s20+$0x0 ss:$0x1], $0xffff  }
0x54: {  	v5 =	vshll.u32 v5, $0x3;
	v7 =	vshll.u32 v7, $0x3  }
0x55: {  	v4 =	vshrl.u32 v4, v5;
	v30 =	vshll.u32 v8, $0x3;
	v5 =	vshrl.u32 v6, v7  }
0x56: {  	v31 =	vshll.u32 v10, $0x3;
	v6 =	vshrl.u32 v9, v30;
	v5 =	vshll.u32 v5, $0x8  }
0x57: {  	v4 =	vand.u32 $0xFF, v4;
	v6 =	vshll.u32 v6, $0x10;
	v5 =	vand.u32 $0xFF00, v5  }
0x58: {  	v32 =	vshrl.u32 v11, v31;
	v4 =	vor.u32 v4, v5;
	v5 =	vand.u32 $0xFF0000, v6  }
0x59: {  	v4 =	vor.u32 v5, v4;
	v5 =	vshll.u32 v32, $0x18  }
0x5a: {  	s24 =	sshra.s32 s16, $0x2;
	v4 =	vor.u32 v5, v4  }
0x5b: {  	s25 =	sor.u32 $0x10, s16;
	[tilespmem:v3+s24+$0x0 ss:$0x1] =	vst.idx.msk $0xffff, v4  }
0x5c: {  	v4 =	vld.idx.msk [tilespmem:v1+s25+$0x0 ss:$0x1], $0xffff  }
0x5d: {  	s26 =	sor.u32 $0x90, s16;
	v5 =	vld.idx.msk [tilespmem:v2+s25+$0x0 ss:$0x1], $0xffff  }
0x5e: {  	v33 =	vld.idx.msk [tilespmem:v1+s26+$0x0 ss:$0x1], $0xffff  }
0x5f: {  	s28 =	sor.u32 $0x110, s16;
	v34 =	vld.idx.msk [tilespmem:v2+s26+$0x0 ss:$0x1], $0xffff  }
0x60: {  	v35 =	vld.idx.msk [tilespmem:v2+s28+$0x0 ss:$0x1], $0xffff  }
0x61: {  	s29 =	sor.u32 $0x190, s16;
	v36 =	vld.idx.msk [tilespmem:v1+s28+$0x0 ss:$0x1], $0xffff  }
0x62: {  	v37 =	vld.idx.msk [tilespmem:v2+s29+$0x0 ss:$0x1], $0xffff;
	_ =	sdelay $0x1  }
0x63: {  	v38 =	vld.idx.msk [tilespmem:v1+s29+$0x0 ss:$0x1], $0xffff  }
0x64: {  	v5 =	vshll.u32 v5, $0x3;
	v7 =	vshll.u32 v34, $0x3  }
0x65: {  	v39 =	vshll.u32 v35, $0x3;
	v4 =	vshrl.u32 v4, v5;
	v5 =	vshrl.u32 v33, v7  }
0x66: {  	v40 =	vshll.u32 v37, $0x3;
	v6 =	vshrl.u32 v36, v39;
	v5 =	vshll.u32 v5, $0x8  }
0x67: {  	v4 =	vand.u32 $0xFF, v4;
	v6 =	vshll.u32 v6, $0x10;
	v5 =	vand.u32 $0xFF00, v5  }
0x68: {  	v41 =	vshrl.u32 v38, v40;
	v4 =	vor.u32 v4, v5;
	v5 =	vand.u32 $0xFF0000, v6  }
0x69: {  	s17 =	sor.u32 $0x40, s16;
	v4 =	vor.u32 v5, v4;
	v5 =	vshll.u32 v41, $0x18  }
0x6a: {  	s19 =	sshra.s32 s17, $0x2;
	v4 =	vor.u32 v5, v4  }
0x6b: {  	s30 =	sor.u32 $0x20, s16;
	[tilespmem:v3+s19+$0x0 ss:$0x1] =	vst.idx.msk $0xffff, v4  }
0x6c: {  	v4 =	vld.idx.msk [tilespmem:v1+s30+$0x0 ss:$0x1], $0xffff  }
0x6d: {  	s31 =	sor.u32 $0xA0, s16;
	v5 =	vld.idx.msk [tilespmem:v2+s30+$0x0 ss:$0x1], $0xffff  }
0x6e: {  	v42 =	vld.idx.msk [tilespmem:v1+s31+$0x0 ss:$0x1], $0xffff  }
0x6f: {  	s21 =	sor.u32 $0x120, s16;
	v43 =	vld.idx.msk [tilespmem:v2+s31+$0x0 ss:$0x1], $0xffff  }
0x70: {  	v44 =	vld.idx.msk [tilespmem:v2+s21+$0x0 ss:$0x1], $0xffff  }
0x71: {  	s22 =	sor.u32 $0x1A0, s16;
	v45 =	vld.idx.msk [tilespmem:v1+s21+$0x0 ss:$0x1], $0xffff  }
0x72: {  	v46 =	vld.idx.msk [tilespmem:v2+s22+$0x0 ss:$0x1], $0xffff;
	_ =	sdelay $0x1  }
0x73: {  	s24 =	sor.u32 $0x200, s16;
	v47 =	vld.idx.msk [tilespmem:v1+s22+$0x0 ss:$0x1], $0xffff  }
0x74: {  	s25 =	sand.u32 $0x3FFFFE00, s24;
	v49 =	vld.idx.msk [tilespmem:v2+s24+$0x0 ss:$0x1], $0xffff;
	v5 =	vshll.u32 v5, $0x3;
	v7 =	vshll.u32 v43, $0x3  }
0x75: {  	v12 =	vld.idx.msk [tilespmem:v1+s25+$0x0 ss:$0x1], $0xffff;
	s22 =	sor.u32 $0x280, s16;
	v48 =	vshll.u32 v44, $0x3;
	v4 =	vshrl.u32 v4, v5;
	v5 =	vshrl.u32 v42, v7  }
0x76: {  	v50 =	vld.idx.msk [tilespmem:v1+s22+$0x0 ss:$0x1], $0xffff;
	v51 =	vshll.u32 v46, $0x3;
	v6 =	vshrl.u32 v45, v48;
	v5 =	vshll.u32 v5, $0x8  }
0x77: {  	s21 =	sor.u32 $0x300, s16;
	v52 =	vld.idx.msk [tilespmem:v2+s22+$0x0 ss:$0x1], $0xffff;
	v4 =	vand.u32 $0xFF, v4;
	v6 =	vshll.u32 v6, $0x10;
	v5 =	vand.u32 $0xFF00, v5  }
0x78: {  	v54 =	vld.idx.msk [tilespmem:v2+s21+$0x0 ss:$0x1], $0xffff;
	v53 =	vshrl.u32 v47, v51;
	v4 =	vor.u32 v4, v5;
	v5 =	vand.u32 $0xFF0000, v6  }
0x79: {  	s19 =	sor.u32 $0x380, s16;
	v55 =	vld.idx.msk [tilespmem:v1+s21+$0x0 ss:$0x1], $0xffff;
	v4 =	vor.u32 v5, v4;
	v5 =	vshll.u32 v53, $0x18  }
0x7a: {  	s23 =	sshra.s32 s23, $0x2;
	v4 =	vor.u32 v5, v4;
	v5 =	vld.idx.msk [tilespmem:v2+s19+$0x0 ss:$0x1], $0xffff  }
0x7b: {  	s26 =	sor.u32 $0x30, s16;
	[tilespmem:v3+s23+$0x0 ss:$0x1] =	vst.idx.msk $0xffff, v4;
	v4 =	vld.idx.msk [tilespmem:v1+s19+$0x0 ss:$0x1], $0xffff  }
0x7c: {  	v56 =	vld.idx.msk [tilespmem:v1+s26+$0x0 ss:$0x1], $0xffff  }
0x7d: {  	s28 =	sor.u32 $0xB0, s16;
	v7 =	vshll.u32 v49, $0x3;
	v10 =	vshll.u32 v52, $0x3;
	v13 =	vld.idx.msk [tilespmem:v2+s26+$0x0 ss:$0x1], $0xffff  }
0x7e: {  	v9 =	vshll.u32 v54, $0x3;
	v7 =	vshrl.u32 v12, v7;
	v8 =	vshrl.u32 v50, v10;
	v57 =	vld.idx.msk [tilespmem:v1+s28+$0x0 ss:$0x1], $0xffff  }
0x7f: {  	s29 =	sor.u32 $0x130, s16;
	v7 =	vand.u32 $0xFF, v7;
	v8 =	vshll.u32 v8, $0x8;
	v6 =	vshrl.u32 v55, v9;
	v58 =	vld.idx.msk [tilespmem:v2+s28+$0x0 ss:$0x1], $0xffff  }
0x80: {  	s30 =	sor.u32 $0x1B0, s16;
	v8 =	vand.u32 $0xFF00, v8;
	v6 =	vshll.u32 v6, $0x10;
	v59 =	vld.idx.msk [tilespmem:v2+s29+$0x0 ss:$0x1], $0xffff;
	v5 =	vshll.u32 v5, $0x3  }
0x81: {  	v7 =	vor.u32 v7, v8;
	v6 =	vand.u32 $0xFF0000, v6;
	v60 =	vld.idx.msk [tilespmem:v2+s30+$0x0 ss:$0x1], $0xffff;
	v4 =	vshrl.u32 v4, v5  }
0x82: {  	v6 =	vor.u32 v6, v7;
	v5 =	vld.idx.msk [tilespmem:v1+s29+$0x0 ss:$0x1], $0xffff;
	v4 =	vshll.u32 v4, $0x18  }
0x83: {  	s24 =	sshrl.u32 s24, $0x2;
	v4 =	vor.u32 v4, v6  }
0x84: {  	s31 =	sor.u32 $0x210, s16;
	v61 =	vld.idx.msk [tilespmem:v1+s30+$0x0 ss:$0x1], $0xffff;
	[tilespmem:v3+s24+$0x0 ss:$0x1] =	vst.idx.msk $0xffff, v4  }
0x85: {  	v62 =	vshll.u32 v58, $0x3;
	v15 =	vshll.u32 v59, $0x3;
	v63 =	vld.idx.msk [tilespmem:v1+s31+$0x0 ss:$0x1], $0xffff  }
0x86: {  	v7 =	vshll.u32 v60, $0x3;
	v8 =	vshrl.u32 v57, v62;
	v4 =	vshll.u32 v13, $0x3;
	s24 =	sor.u32 $0x290, s16;
	v16 =	vld.idx.msk [tilespmem:v2+s31+$0x0 ss:$0x1], $0xffff  }
0x87: {  	v8 =	vshll.u32 v8, $0x8;
	v4 =	vshrl.u32 v56, v4;
	v17 =	vld.idx.msk [tilespmem:v1+s24+$0x0 ss:$0x1], $0xffff;
	v5 =	vshrl.u32 v5, v15  }
0x88: {  	s25 =	sor.u32 $0x310, s16;
	v8 =	vand.u32 $0xFF00, v8;
	v18 =	vld.idx.msk [tilespmem:v2+s24+$0x0 ss:$0x1], $0xffff;
	v4 =	vand.u32 $0xFF, v4;
	v5 =	vshll.u32 v5, $0x10  }
0x89: {  	v6 =	vshrl.u32 v61, v7;
	v19 =	vld.idx.msk [tilespmem:v2+s25+$0x0 ss:$0x1], $0xffff;
	v4 =	vor.u32 v4, v8;
	v5 =	vand.u32 $0xFF0000, v5  }
0x8a: {  	s26 =	sor.u32 $0xC0, s16;
	s28 =	sor.u32 $0x390, s16;
	v20 =	vld.idx.msk [tilespmem:v1+s25+$0x0 ss:$0x1], $0xffff;
	v4 =	vor.u32 v5, v4;
	v5 =	vshll.u32 v6, $0x18  }
0x8b: {  	s25 =	sshra.s32 s26, $0x2;
	v4 =	vor.u32 v5, v4;
	v5 =	vld.idx.msk [tilespmem:v2+s28+$0x0 ss:$0x1], $0xffff  }
0x8c: {  	[tilespmem:v3+s25+$0x0 ss:$0x1] =	vst.idx.msk $0xffff, v4;
	v4 =	vld.idx.msk [tilespmem:v1+s28+$0x0 ss:$0x1], $0xffff  }
0x8d: {  	v21 =	vld.idx.msk [tilespmem:v1+s17+$0x0 ss:$0x1], $0xffff  }
0x8e: {  	v11 =	vshll.u32 v16, $0x3;
	v12 =	vshll.u32 v18, $0x3;
	v22 =	vld.idx.msk [tilespmem:v2+s17+$0x0 ss:$0x1], $0xffff  }
0x8f: {  	v7 =	vshll.u32 v19, $0x3;
	v9 =	vshrl.u32 v63, v11;
	v10 =	vshrl.u32 v17, v12;
	v23 =	vld.idx.msk [tilespmem:v1+s26+$0x0 ss:$0x1], $0xffff  }
0x90: {  	s24 =	sor.u32 $0x140, s16;
	v6 =	vshrl.u32 v20, v7;
	v9 =	vand.u32 $0xFF, v9;
	v10 =	vshll.u32 v10, $0x8;
	v24 =	vld.idx.msk [tilespmem:v2+s26+$0x0 ss:$0x1], $0xffff  }
0x91: {  	v6 =	vshll.u32 v6, $0x10;
	v25 =	vld.idx.msk [tilespmem:v2+s24+$0x0 ss:$0x1], $0xffff;
	s17 =	sor.u32 $0x1C0, s16;
	v10 =	vand.u32 $0xFF00, v10;
	v5 =	vshll.u32 v5, $0x3  }
0x92: {  	v6 =	vand.u32 $0xFF0000, v6;
	v26 =	vld.idx.msk [tilespmem:v2+s17+$0x0 ss:$0x1], $0xffff;
	v9 =	vor.u32 v9, v10;
	v4 =	vshrl.u32 v4, v5  }
0x93: {  	s23 =	sor.u32 $0x240, s16;
	v6 =	vor.u32 v6, v9;
	v5 =	vld.idx.msk [tilespmem:v1+s24+$0x0 ss:$0x1], $0xffff;
	v4 =	vshll.u32 v4, $0x18  }
0x94: {  	s29 =	sshrl.u32 s23, $0x2;
	v4 =	vor.u32 v4, v6  }
0x95: {  	s30 =	sor.u32 $0x220, s16;
	v27 =	vld.idx.msk [tilespmem:v1+s17+$0x0 ss:$0x1], $0xffff;
	[tilespmem:v3+s29+$0x0 ss:$0x1] =	vst.idx.msk $0xffff, v4  }
0x96: {  	v7 =	vshll.u32 v24, $0x3;
	v29 =	vshll.u32 v25, $0x3;
	v28 =	vld.idx.msk [tilespmem:v1+s30+$0x0 ss:$0x1], $0xffff  }
0x97: {  	s31 =	sor.u32 $0x2A0, s16;
	v7 =	vshrl.u32 v23, v7;
	v9 =	vshll.u32 v26, $0x3;
	v4 =	vshll.u32 v22, $0x3;
	v30 =	vld.idx.msk [tilespmem:v2+s30+$0x0 ss:$0x1], $0xffff  }
0x98: {  	v7 =	vshll.u32 v7, $0x8;
	v4 =	vshrl.u32 v21, v4;
	v31 =	vld.idx.msk [tilespmem:v1+s31+$0x0 ss:$0x1], $0xffff;
	v5 =	vshrl.u32 v5, v29  }
0x99: {  	s26 =	sor.u32 $0x320, s16;
	v7 =	vand.u32 $0xFF00, v7;
	v32 =	vld.idx.msk [tilespmem:v2+s31+$0x0 ss:$0x1], $0xffff;
	v4 =	vand.u32 $0xFF, v4;
	v5 =	vshll.u32 v5, $0x10  }
0x9a: {  	v6 =	vshrl.u32 v27, v9;
	v33 =	vld.idx.msk [tilespmem:v2+s26+$0x0 ss:$0x1], $0xffff;
	v4 =	vor.u32 v4, v7;
	v5 =	vand.u32 $0xFF0000, v5  }
0x9b: {  	s28 =	sor.u32 $0x3A0, s16;
	v34 =	vld.idx.msk [tilespmem:v1+s26+$0x0 ss:$0x1], $0xffff;
	v4 =	vor.u32 v5, v4;
	v5 =	vshll.u32 v6, $0x18  }
0x9c: {  	s18 =	sshra.s32 s18, $0x2;
	v4 =	vor.u32 v5, v4;
	v5 =	vld.idx.msk [tilespmem:v2+s28+$0x0 ss:$0x1], $0xffff  }
0x9d: {  	s29 =	sor.u32 $0x50, s16;
	[tilespmem:v3+s18+$0x0 ss:$0x1] =	vst.idx.msk $0xffff, v4;
	v4 =	vld.idx.msk [tilespmem:v1+s28+$0x0 ss:$0x1], $0xffff  }
0x9e: {  	v35 =	vld.idx.msk [tilespmem:v1+s29+$0x0 ss:$0x1], $0xffff  }
0x9f: {  	s30 =	sor.u32 $0xD0, s16;
	v11 =	vshll.u32 v30, $0x3;
	v12 =	vshll.u32 v32, $0x3;
	v36 =	vld.idx.msk [tilespmem:v2+s29+$0x0 ss:$0x1], $0xffff  }
0xa0: {  	v7 =	vshll.u32 v33, $0x3;
	v10 =	vshrl.u32 v28, v11;
	v8 =	vshrl.u32 v31, v12;
	v37 =	vld.idx.msk [tilespmem:v1+s30+$0x0 ss:$0x1], $0xffff  }
0xa1: {  	s31 =	sor.u32 $0x150, s16;
	v6 =	vshrl.u32 v34, v7;
	v10 =	vand.u32 $0xFF, v10;
	v8 =	vshll.u32 v8, $0x8;
	v38 =	vld.idx.msk [tilespmem:v2+s30+$0x0 ss:$0x1], $0xffff  }
0xa2: {  	s25 =	sor.u32 $0x1D0, s16;
	v6 =	vshll.u32 v6, $0x10;
	v39 =	vld.idx.msk [tilespmem:v2+s31+$0x0 ss:$0x1], $0xffff;
	v8 =	vand.u32 $0xFF00, v8;
	v5 =	vshll.u32 v5, $0x3  }
0xa3: {  	v40 =	vld.idx.msk [tilespmem:v2+s25+$0x0 ss:$0x1], $0xffff;
	v6 =	vand.u32 $0xFF0000, v6;
	v8 =	vor.u32 v10, v8;
	v4 =	vshrl.u32 v4, v5  }
0xa4: {  	v6 =	vor.u32 v6, v8;
	v5 =	vld.idx.msk [tilespmem:v1+s31+$0x0 ss:$0x1], $0xffff;
	v4 =	vshll.u32 v4, $0x18  }
0xa5: {  	s22 =	sshrl.u32 s22, $0x2;
	v4 =	vor.u32 v4, v6  }
0xa6: {  	s26 =	sor.u32 $0x230, s16;
	v41 =	vld.idx.msk [tilespmem:v1+s25+$0x0 ss:$0x1], $0xffff;
	[tilespmem:v3+s22+$0x0 ss:$0x1] =	vst.idx.msk $0xffff, v4  }
0xa7: {  	v7 =	vshll.u32 v38, $0x3;
	v43 =	vshll.u32 v39, $0x3;
	v42 =	vld.idx.msk [tilespmem:v1+s26+$0x0 ss:$0x1], $0xffff  }
0xa8: {  	s28 =	sor.u32 $0x2B0, s16;
	v8 =	vshll.u32 v40, $0x3;
	v7 =	vshrl.u32 v37, v7;
	v4 =	vshll.u32 v36, $0x3;
	v44 =	vld.idx.msk [tilespmem:v2+s26+$0x0 ss:$0x1], $0xffff  }
0xa9: {  	v7 =	vshll.u32 v7, $0x8;
	v4 =	vshrl.u32 v35, v4;
	v45 =	vld.idx.msk [tilespmem:v1+s28+$0x0 ss:$0x1], $0xffff;
	v5 =	vshrl.u32 v5, v43  }
0xaa: {  	s29 =	sor.u32 $0x330, s16;
	v7 =	vand.u32 $0xFF00, v7;
	v46 =	vld.idx.msk [tilespmem:v2+s28+$0x0 ss:$0x1], $0xffff;
	v4 =	vand.u32 $0xFF, v4;
	v5 =	vshll.u32 v5, $0x10  }
0xab: {  	v6 =	vshrl.u32 v41, v8;
	v47 =	vld.idx.msk [tilespmem:v2+s29+$0x0 ss:$0x1], $0xffff;
	v4 =	vor.u32 v4, v7;
	v5 =	vand.u32 $0xFF0000, v5  }
0xac: {  	s30 =	sor.u32 $0x3B0, s16;
	v48 =	vld.idx.msk [tilespmem:v1+s29+$0x0 ss:$0x1], $0xffff;
	v4 =	vor.u32 v5, v4;
	v5 =	vshll.u32 v6, $0x18  }
0xad: {  	s31 =	sshra.s32 s24, $0x2;
	v4 =	vor.u32 v5, v4;
	v5 =	vld.idx.msk [tilespmem:v2+s30+$0x0 ss:$0x1], $0xffff  }
0xae: {  	s24 =	sor.u32 $0x60, s16;
	[tilespmem:v3+s31+$0x0 ss:$0x1] =	vst.idx.msk $0xffff, v4;
	v4 =	vld.idx.msk [tilespmem:v1+s30+$0x0 ss:$0x1], $0xffff  }
0xaf: {  	v49 =	vld.idx.msk [tilespmem:v1+s24+$0x0 ss:$0x1], $0xffff  }
0xb0: {  	s25 =	sor.u32 $0xE0, s16;
	v11 =	vshll.u32 v44, $0x3;
	v12 =	vshll.u32 v46, $0x3;
	v50 =	vld.idx.msk [tilespmem:v2+s24+$0x0 ss:$0x1], $0xffff  }
0xb1: {  	v7 =	vshll.u32 v47, $0x3;
	v10 =	vshrl.u32 v42, v11;
	v9 =	vshrl.u32 v45, v12;
	v51 =	vld.idx.msk [tilespmem:v1+s25+$0x0 ss:$0x1], $0xffff  }
0xb2: {  	s26 =	sor.u32 $0x160, s16;
	v6 =	vshrl.u32 v48, v7;
	v10 =	vand.u32 $0xFF, v10;
	v9 =	vshll.u32 v9, $0x8;
	v52 =	vld.idx.msk [tilespmem:v2+s25+$0x0 ss:$0x1], $0xffff  }
0xb3: {  	s28 =	sor.u32 $0x1E0, s16;
	v6 =	vshll.u32 v6, $0x10;
	v53 =	vld.idx.msk [tilespmem:v2+s26+$0x0 ss:$0x1], $0xffff;
	v9 =	vand.u32 $0xFF00, v9;
	v5 =	vshll.u32 v5, $0x3  }
0xb4: {  	v54 =	vld.idx.msk [tilespmem:v2+s28+$0x0 ss:$0x1], $0xffff;
	v6 =	vand.u32 $0xFF0000, v6;
	v9 =	vor.u32 v10, v9;
	v4 =	vshrl.u32 v4, v5  }
0xb5: {  	s29 =	sor.u32 $0x2C0, s16;
	v6 =	vor.u32 v6, v9;
	v5 =	vld.idx.msk [tilespmem:v1+s26+$0x0 ss:$0x1], $0xffff;
	v4 =	vshll.u32 v4, $0x18  }
0xb6: {  	s30 =	sshrl.u32 s29, $0x2;
	v4 =	vor.u32 v4, v6  }
0xb7: {  	v55 =	vld.idx.msk [tilespmem:v1+s28+$0x0 ss:$0x1], $0xffff;
	[tilespmem:v3+s30+$0x0 ss:$0x1] =	vst.idx.msk $0xffff, v4  }
0xb8: {  	v7 =	vshll.u32 v52, $0x3;
	v57 =	vshll.u32 v53, $0x3;
	v56 =	vld.idx.msk [tilespmem:v1+s23+$0x0 ss:$0x1], $0xffff  }
0xb9: {  	v60 =	vshll.u32 v54, $0x3;
	v7 =	vshrl.u32 v51, v7;
	v4 =	vshll.u32 v50, $0x3;
	v58 =	vld.idx.msk [tilespmem:v2+s23+$0x0 ss:$0x1], $0xffff  }
0xba: {  	v7 =	vshll.u32 v7, $0x8;
	v4 =	vshrl.u32 v49, v4;
	v59 =	vld.idx.msk [tilespmem:v1+s29+$0x0 ss:$0x1], $0xffff;
	v5 =	vshrl.u32 v5, v57  }
0xbb: {  	s24 =	sor.u32 $0x340, s16;
	v7 =	vand.u32 $0xFF00, v7;
	v61 =	vld.idx.msk [tilespmem:v2+s29+$0x0 ss:$0x1], $0xffff;
	v4 =	vand.u32 $0xFF, v4;
	v5 =	vshll.u32 v5, $0x10  }
0xbc: {  	v6 =	vshrl.u32 v55, v60;
	v62 =	vld.idx.msk [tilespmem:v2+s24+$0x0 ss:$0x1], $0xffff;
	v4 =	vor.u32 v4, v7;
	v5 =	vand.u32 $0xFF0000, v5  }
0xbd: {  	s18 =	sor.u32 $0x3C0, s16;
	v63 =	vld.idx.msk [tilespmem:v1+s24+$0x0 ss:$0x1], $0xffff;
	v4 =	vor.u32 v5, v4;
	v5 =	vshll.u32 v6, $0x18  }
0xbe: {  	s20 =	sshra.s32 s20, $0x2;
	v16 =	vld.idx.msk [tilespmem:v1+s18+$0x0 ss:$0x1], $0xffff;
	v4 =	vor.u32 v5, v4  }
0xbf: {  	s31 =	sor.u32 $0x70, s16;
	v5 =	vld.idx.msk [tilespmem:v2+s18+$0x0 ss:$0x1], $0xffff;
	[tilespmem:v3+s20+$0x0 ss:$0x1] =	vst.idx.msk $0xffff, v4  }
0xc0: {  	v8 =	vld.idx.msk [tilespmem:v1+s31+$0x0 ss:$0x1], $0xffff  }
0xc1: {  	s22 =	sor.u32 $0xF0, s16;
	v17 =	vshll.u32 v61, $0x3;
	v4 =	vshll.u32 v58, $0x3;
	v9 =	vld.idx.msk [tilespmem:v2+s31+$0x0 ss:$0x1], $0xffff  }
0xc2: {  	v7 =	vshll.u32 v62, $0x3;
	v11 =	vshrl.u32 v59, v17;
	s20 =	sor.u32 $0x580, s16;
	v4 =	vshrl.u32 v56, v4;
	v10 =	vld.idx.msk [tilespmem:v1+s22+$0x0 ss:$0x1], $0xffff  }
0xc3: {  	v6 =	vshrl.u32 v63, v7;
	v33 =	vld.idx.msk [tilespmem:v2+s20+$0x0 ss:$0x1], $0xffff;
	v18 =	vand.u32 $0xFF, v4;
	v4 =	vshll.u32 v11, $0x8  }
0xc4: {  	s23 =	sor.u32 $0x170, s16;
	v6 =	vshll.u32 v6, $0x10;
	v11 =	vld.idx.msk [tilespmem:v2+s22+$0x0 ss:$0x1], $0xffff;
	v19 =	vand.u32 $0xFF00, v4;
	v5 =	vshll.u32 v5, $0x3  }
0xc5: {  	s31 =	sor.u32 $0x400, s16;
	v20 =	vand.u32 $0xFF0000, v6;
	v6 =	vld.idx.msk [tilespmem:v2+s23+$0x0 ss:$0x1], $0xffff;
	v7 =	vor.u32 v18, v19;
	v5 =	vshrl.u32 v16, v5  }
0xc6: {  	v25 =	vld.idx.msk [tilespmem:v2+s31+$0x0 ss:$0x1], $0xffff;
	v7 =	vor.u32 v20, v7;
	v21 =	vshll.u32 v5, $0x18  }
0xc7: {  	s21 =	sshrl.u32 s21, $0x2;
	s22 =	sor.u32 $0x480, s16;
	v4 =	vld.idx.msk [tilespmem:v1+s23+$0x0 ss:$0x1], $0xffff;
	v12 =	vor.u32 v21, v7  }
0xc8: {  	s26 =	sor.u32 $0x250, s16;
	v26 =	vld.idx.msk [tilespmem:v1+s22+$0x0 ss:$0x1], $0xffff;
	[tilespmem:v3+s21+$0x0 ss:$0x1] =	vst.idx.msk $0xffff, v12  }
0xc9: {  	v12 =	vld.idx.msk [tilespmem:v1+s26+$0x0 ss:$0x1], $0xffff  }
0xca: {  	s28 =	sor.u32 $0x2D0, s16;
	v22 =	vld.idx.msk [tilespmem:v2+s26+$0x0 ss:$0x1], $0xffff  }
0xcb: {  	v14 =	vld.idx.msk [tilespmem:v1+s28+$0x0 ss:$0x1], $0xffff  }
0xcc: {  	s29 =	sor.u32 $0x350, s16;
	v15 =	vld.idx.msk [tilespmem:v2+s28+$0x0 ss:$0x1], $0xffff  }
0xcd: {  	s30 =	sor.u32 $0x3D0, s16;
	v16 =	vld.idx.msk [tilespmem:v2+s29+$0x0 ss:$0x1], $0xffff  }
0xce: {  	v18 =	vld.idx.msk [tilespmem:v2+s30+$0x0 ss:$0x1], $0xffff  }
0xcf: {  	v17 =	vld.idx.msk [tilespmem:v1+s29+$0x0 ss:$0x1], $0xffff  }
0xd0: {  	v28 =	vld.idx.msk [tilespmem:v2+s22+$0x0 ss:$0x1], $0xffff  }
0xd1: {  	s23 =	sor.u32 $0x500, s16;
	v19 =	vld.idx.msk [tilespmem:v1+s30+$0x0 ss:$0x1], $0xffff  }
0xd2: {  	s25 =	sor.u32 $0x1F0, s16;
	v32 =	vld.idx.msk [tilespmem:v1+s23+$0x0 ss:$0x1], $0xffff;
	v13 =	vshll.u32 v22, $0x3;
	v15 =	vshll.u32 v15, $0x3  }
0xd3: {  	v5 =	vld.idx.msk [tilespmem:v1+s25+$0x0 ss:$0x1], $0xffff;
	v24 =	vshll.u32 v16, $0x3;
	v27 =	vshll.u32 v18, $0x3;
	v23 =	vshrl.u32 v14, v15  }
0xd4: {  	v7 =	vld.idx.msk [tilespmem:v2+s25+$0x0 ss:$0x1], $0xffff;
	v12 =	vshrl.u32 v12, v13;
	v14 =	vshrl.u32 v17, v24;
	v13 =	vshll.u32 v23, $0x8  }
0xd5: {  	s25 =	sand.u32 $0x3FFFFE00, s31;
	v21 =	vld.idx.msk [tilespmem:v2+s23+$0x0 ss:$0x1], $0xffff;
	v12 =	vand.u32 $0xFF, v12;
	v14 =	vshll.u32 v14, $0x10;
	v13 =	vand.u32 $0xFF00, v13  }
0xd6: {  	v20 =	vld.idx.msk [tilespmem:v1+s25+$0x0 ss:$0x1], $0xffff;
	v30 =	vshrl.u32 v19, v27;
	v29 =	vand.u32 $0xFF0000, v14;
	v12 =	vor.u32 v12, v13  }
0xd7: {  	v31 =	vshll.u32 v30, $0x18;
	v12 =	vor.u32 v29, v12  }
0xd8: {  	s24 =	sshrl.u32 s24, $0x2;
	v34 =	vld.idx.msk [tilespmem:v1+s20+$0x0 ss:$0x1], $0xffff;
	v12 =	vor.u32 v31, v12  }
0xd9: {  	v38 =	vshll.u32 v33, $0x3;
	s26 =	sor.u32 $0x260, s16;
	v18 =	vshll.u32 v28, $0x3;
	[tilespmem:v3+s24+$0x0 ss:$0x1] =	vst.idx.msk $0xffff, v12  }
0xda: {  	v35 =	vshll.u32 v21, $0x3;
	v15 =	vshll.u32 v25, $0x3;
	v18 =	vshrl.u32 v26, v18;
	v16 =	vld.idx.msk [tilespmem:v1+s26+$0x0 ss:$0x1], $0xffff  }
0xdb: {  	s28 =	sor.u32 $0x2E0, s16;
	v15 =	vshrl.u32 v20, v15;
	v36 =	vshll.u32 v18, $0x8;
	v14 =	vshrl.u32 v32, v35;
	v19 =	vld.idx.msk [tilespmem:v2+s26+$0x0 ss:$0x1], $0xffff  }
0xdc: {  	v15 =	vand.u32 $0xFF, v15;
	v37 =	vand.u32 $0xFF00, v36;
	v14 =	vshll.u32 v14, $0x10;
	v17 =	vld.idx.msk [tilespmem:v1+s28+$0x0 ss:$0x1], $0xffff  }
0xdd: {  	s29 =	sor.u32 $0x360, s16;
	v20 =	vor.u32 v15, v37;
	v14 =	vand.u32 $0xFF0000, v14;
	v12 =	vshrl.u32 v34, v38;
	v18 =	vld.idx.msk [tilespmem:v2+s28+$0x0 ss:$0x1], $0xffff  }
0xde: {  	v14 =	vor.u32 v14, v20;
	v13 =	vld.idx.msk [tilespmem:v1+s29+$0x0 ss:$0x1], $0xffff;
	v39 =	vshll.u32 v12, $0x18  }
0xdf: {  	s21 =	sshrl.u32 s31, $0x2;
	s30 =	sor.u32 $0x3E0, s16;
	v15 =	vld.idx.msk [tilespmem:v2+s29+$0x0 ss:$0x1], $0xffff;
	v20 =	vor.u32 v39, v14  }
0xe0: {  	s31 =	sor.u32 $0x410, s16;
	v12 =	vld.idx.msk [tilespmem:v1+s30+$0x0 ss:$0x1], $0xffff;
	[tilespmem:v3+s21+$0x0 ss:$0x1] =	vst.idx.msk $0xffff, v20  }
0xe1: {  	v20 =	vld.idx.msk [tilespmem:v1+s31+$0x0 ss:$0x1], $0xffff  }
0xe2: {  	s24 =	sor.u32 $0x490, s16;
	v40 =	vld.idx.msk [tilespmem:v2+s31+$0x0 ss:$0x1], $0xffff  }
0xe3: {  	v22 =	vld.idx.msk [tilespmem:v1+s24+$0x0 ss:$0x1], $0xffff  }
0xe4: {  	s25 =	sor.u32 $0x510, s16;
	v23 =	vld.idx.msk [tilespmem:v2+s24+$0x0 ss:$0x1], $0xffff  }
0xe5: {  	s26 =	sor.u32 $0x590, s16;
	v24 =	vld.idx.msk [tilespmem:v2+s25+$0x0 ss:$0x1], $0xffff  }
0xe6: {  	v26 =	vld.idx.msk [tilespmem:v2+s26+$0x0 ss:$0x1], $0xffff  }
0xe7: {  	v25 =	vld.idx.msk [tilespmem:v1+s25+$0x0 ss:$0x1], $0xffff  }
0xe8: {  	v14 =	vld.idx.msk [tilespmem:v2+s30+$0x0 ss:$0x1], $0xffff  }
0xe9: {  	s28 =	sor.u32 $0x600, s16;
	v27 =	vld.idx.msk [tilespmem:v1+s26+$0x0 ss:$0x1], $0xffff  }
0xea: {  	s29 =	sand.u32 $0x3FFFFE00, s28;
	v43 =	vld.idx.msk [tilespmem:v2+s28+$0x0 ss:$0x1], $0xffff;
	v21 =	vshll.u32 v40, $0x3;
	v23 =	vshll.u32 v23, $0x3  }
0xeb: {  	v28 =	vld.idx.msk [tilespmem:v1+s29+$0x0 ss:$0x1], $0xffff;
	s21 =	sor.u32 $0x780, s16;
	v42 =	vshll.u32 v24, $0x3;
	v45 =	vshll.u32 v26, $0x3;
	v41 =	vshrl.u32 v22, v23  }
0xec: {  	s25 =	sor.u32 $0x680, s16;
	v52 =	vld.idx.msk [tilespmem:v2+s21+$0x0 ss:$0x1], $0xffff;
	v20 =	vshrl.u32 v20, v21;
	v22 =	vshrl.u32 v25, v42;
	v21 =	vshll.u32 v41, $0x8  }
0xed: {  	v44 =	vld.idx.msk [tilespmem:v1+s25+$0x0 ss:$0x1], $0xffff;
	v20 =	vand.u32 $0xFF, v20;
	v22 =	vshll.u32 v22, $0x10;
	v21 =	vand.u32 $0xFF00, v21  }
0xee: {  	s24 =	sor.u32 $0x700, s16;
	v46 =	vld.idx.msk [tilespmem:v2+s25+$0x0 ss:$0x1], $0xffff;
	v48 =	vshrl.u32 v27, v45;
	v47 =	vand.u32 $0xFF0000, v22;
	v20 =	vor.u32 v20, v21  }
0xef: {  	s26 =	sor.u32 $0x440, s16;
	v49 =	vld.idx.msk [tilespmem:v2+s24+$0x0 ss:$0x1], $0xffff;
	v50 =	vshll.u32 v48, $0x18;
	v20 =	vor.u32 v47, v20  }
0xf0: {  	v51 =	vld.idx.msk [tilespmem:v1+s24+$0x0 ss:$0x1], $0xffff;
	s29 =	sshrl.u32 s26, $0x2;
	v20 =	vor.u32 v50, v20  }
0xf1: {  	s30 =	sor.u32 $0x420, s16;
	v53 =	vld.idx.msk [tilespmem:v1+s21+$0x0 ss:$0x1], $0xffff;
	[tilespmem:v3+s29+$0x0 ss:$0x1] =	vst.idx.msk $0xffff, v20  }
0xf2: {  	v54 =	vld.idx.msk [tilespmem:v1+s30+$0x0 ss:$0x1], $0xffff  }
0xf3: {  	s31 =	sor.u32 $0x4A0, s16;
	v23 =	vshll.u32 v43, $0x3;
	v26 =	vshll.u32 v46, $0x3;
	v55 =	vld.idx.msk [tilespmem:v2+s30+$0x0 ss:$0x1], $0xffff  }
0xf4: {  	v25 =	vshll.u32 v49, $0x3;
	v23 =	vshrl.u32 v28, v23;
	v24 =	vshrl.u32 v44, v26;
	v56 =	vld.idx.msk [tilespmem:v1+s31+$0x0 ss:$0x1], $0xffff  }
0xf5: {  	v23 =	vand.u32 $0xFF, v23;
	v24 =	vshll.u32 v24, $0x8;
	v22 =	vshrl.u32 v51, v25;
	v57 =	vld.idx.msk [tilespmem:v2+s31+$0x0 ss:$0x1], $0xffff;
	s30 =	sor.u32 $0x520, s16  }
0xf6: {  	v24 =	vand.u32 $0xFF00, v24;
	v22 =	vshll.u32 v22, $0x10;
	v21 =	vshll.u32 v52, $0x3;
	v58 =	vld.idx.msk [tilespmem:v2+s30+$0x0 ss:$0x1], $0xffff  }
0xf7: {  	v23 =	vor.u32 v23, v24;
	v22 =	vand.u32 $0xFF0000, v22;
	v20 =	vshrl.u32 v53, v21;
	s31 =	sor.u32 $0x5A0, s16;
	v59 =	vld.idx.msk [tilespmem:v1+s30+$0x0 ss:$0x1], $0xffff  }
0xf8: {  	v22 =	vor.u32 v22, v23;
	v20 =	vshll.u32 v20, $0x18;
	v60 =	vld.idx.msk [tilespmem:v2+s31+$0x0 ss:$0x1], $0xffff  }
0xf9: {  	s28 =	sshrl.u32 s28, $0x2;
	v20 =	vor.u32 v20, v22  }
0xfa: {  	v61 =	vld.idx.msk [tilespmem:v1+s31+$0x0 ss:$0x1], $0xffff;
	s30 =	sor.u32 $0x610, s16;
	[tilespmem:v3+s28+$0x0 ss:$0x1] =	vst.idx.msk $0xffff, v20  }
0xfb: {  	v63 =	vld.idx.msk [tilespmem:v1+s30+$0x0 ss:$0x1], $0xffff;
	v62 =	vshll.u32 v55, $0x3;
	v25 =	vshll.u32 v57, $0x3  }
0xfc: {  	s31 =	sor.u32 $0x690, s16;
	v31 =	vld.idx.msk [tilespmem:v2+s30+$0x0 ss:$0x1], $0xffff;
	v20 =	vshrl.u32 v54, v62;
	v25 =	vshrl.u32 v56, v25;
	v24 =	vshll.u32 v58, $0x3  }
0xfd: {  	v32 =	vld.idx.msk [tilespmem:v1+s31+$0x0 ss:$0x1], $0xffff;
	v23 =	vshll.u32 v60, $0x3;
	v25 =	vshll.u32 v25, $0x8;
	v21 =	vshrl.u32 v59, v24  }
0xfe: {  	s29 =	sor.u32 $0x710, s16;
	v33 =	vld.idx.msk [tilespmem:v2+s31+$0x0 ss:$0x1], $0xffff;
	v20 =	vand.u32 $0xFF, v20;
	v25 =	vand.u32 $0xFF00, v25;
	v21 =	vshll.u32 v21, $0x10  }
0xff: {  	v34 =	vld.idx.msk [tilespmem:v2+s29+$0x0 ss:$0x1], $0xffff;
	v22 =	vshrl.u32 v61, v23;
	v20 =	vor.u32 v20, v25;
	v21 =	vand.u32 $0xFF0000, v21  }
0x100: {  	v36 =	vld.idx.msk [tilespmem:v1+s29+$0x0 ss:$0x1], $0xffff;
	s30 =	sor.u32 $0x790, s16;
	v35 =	vshll.u32 v22, $0x18;
	v20 =	vor.u32 v21, v20  }
0x101: {  	s22 =	sshrl.u32 s22, $0x2;
	v37 =	vld.idx.msk [tilespmem:v2+s30+$0x0 ss:$0x1], $0xffff;
	v20 =	vor.u32 v35, v20  }
0x102: {  	s31 =	sor.u32 $0x430, s16;
	v38 =	vld.idx.msk [tilespmem:v1+s30+$0x0 ss:$0x1], $0xffff;
	[tilespmem:v3+s22+$0x0 ss:$0x1] =	vst.idx.msk $0xffff, v20  }
0x103: {  	v39 =	vld.idx.msk [tilespmem:v1+s31+$0x0 ss:$0x1], $0xffff  }
0x104: {  	s29 =	sor.u32 $0x4B0, s16;
	v26 =	vshll.u32 v31, $0x3;
	v27 =	vshll.u32 v33, $0x3;
	v40 =	vld.idx.msk [tilespmem:v2+s31+$0x0 ss:$0x1], $0xffff  }
0x105: {  	v23 =	vshll.u32 v34, $0x3;
	v26 =	vshrl.u32 v63, v26;
	v24 =	vshrl.u32 v32, v27;
	v41 =	vld.idx.msk [tilespmem:v1+s29+$0x0 ss:$0x1], $0xffff  }
0x106: {  	s30 =	sor.u32 $0x530, s16;
	v22 =	vshrl.u32 v36, v23;
	v26 =	vand.u32 $0xFF, v26;
	v24 =	vshll.u32 v24, $0x8;
	v42 =	vld.idx.msk [tilespmem:v2+s29+$0x0 ss:$0x1], $0xffff  }
0x107: {  	v22 =	vshll.u32 v22, $0x10;
	v21 =	vshll.u32 v37, $0x3;
	v24 =	vand.u32 $0xFF00, v24;
	v43 =	vld.idx.msk [tilespmem:v2+s30+$0x0 ss:$0x1], $0xffff  }
0x108: {  	v22 =	vand.u32 $0xFF0000, v22;
	v24 =	vor.u32 v26, v24;
	v20 =	vshrl.u32 v38, v21;
	v44 =	vld.idx.msk [tilespmem:v1+s30+$0x0 ss:$0x1], $0xffff;
	s31 =	sor.u32 $0x5B0, s16  }
0x109: {  	s28 =	sor.u32 $0x640, s16;
	v22 =	vor.u32 v22, v24;
	v20 =	vshll.u32 v20, $0x18;
	v45 =	vld.idx.msk [tilespmem:v2+s31+$0x0 ss:$0x1], $0xffff  }
0x10a: {  	s30 =	sshrl.u32 s28, $0x2;
	v20 =	vor.u32 v20, v22  }
0x10b: {  	v46 =	vld.idx.msk [tilespmem:v1+s31+$0x0 ss:$0x1], $0xffff;
	s31 =	sor.u32 $0x620, s16;
	[tilespmem:v3+s30+$0x0 ss:$0x1] =	vst.idx.msk $0xffff, v20  }
0x10c: {  	v48 =	vld.idx.msk [tilespmem:v1+s31+$0x0 ss:$0x1], $0xffff;
	v47 =	vshll.u32 v40, $0x3;
	v23 =	vshll.u32 v42, $0x3  }
0x10d: {  	s29 =	sor.u32 $0x6A0, s16;
	v50 =	vld.idx.msk [tilespmem:v2+s31+$0x0 ss:$0x1], $0xffff;
	v49 =	vshll.u32 v43, $0x3;
	v20 =	vshrl.u32 v39, v47;
	v23 =	vshrl.u32 v41, v23  }
0x10e: {  	v51 =	vld.idx.msk [tilespmem:v1+s29+$0x0 ss:$0x1], $0xffff;
	v21 =	vshrl.u32 v44, v49;
	v24 =	vshll.u32 v45, $0x3;
	v23 =	vshll.u32 v23, $0x8  }
0x10f: {  	s30 =	sor.u32 $0x720, s16;
	v52 =	vld.idx.msk [tilespmem:v2+s29+$0x0 ss:$0x1], $0xffff;
	v20 =	vand.u32 $0xFF, v20;
	v21 =	vshll.u32 v21, $0x10;
	v23 =	vand.u32 $0xFF00, v23  }
0x110: {  	v53 =	vld.idx.msk [tilespmem:v2+s30+$0x0 ss:$0x1], $0xffff;
	v22 =	vshrl.u32 v46, v24;
	v21 =	vand.u32 $0xFF0000, v21;
	v20 =	vor.u32 v20, v23  }
0x111: {  	s29 =	sor.u32 $0x4C0, s16;
	v55 =	vld.idx.msk [tilespmem:v1+s30+$0x0 ss:$0x1], $0xffff;
	s31 =	sor.u32 $0x7A0, s16;
	v54 =	vshll.u32 v22, $0x18;
	v20 =	vor.u32 v21, v20  }
0x112: {  	s30 =	sshrl.u32 s29, $0x2;
	v57 =	vld.idx.msk [tilespmem:v2+s31+$0x0 ss:$0x1], $0xffff;
	v56 =	vor.u32 v54, v20  }
0x113: {  	v19 =	vshll.u32 v19, $0x3;
	v58 =	vld.idx.msk [tilespmem:v1+s31+$0x0 ss:$0x1], $0xffff;
	[tilespmem:v3+s30+$0x0 ss:$0x1] =	vst.idx.msk $0xffff, v56  }
0x114: {  	v16 =	vshrl.u32 v16, v19;
	v60 =	vshll.u32 v50, $0x3;
	v61 =	vshll.u32 v52, $0x3;
	v59 =	vld.idx.msk [tilespmem:v1+s26+$0x0 ss:$0x1], $0xffff  }
0x115: {  	v24 =	vshrl.u32 v51, v61;
	v23 =	vshll.u32 v53, $0x3;
	v21 =	vshrl.u32 v48, v60;
	v62 =	vld.idx.msk [tilespmem:v2+s26+$0x0 ss:$0x1], $0xffff  }
0x116: {  	v24 =	vshll.u32 v24, $0x8;
	v22 =	vshrl.u32 v55, v23;
	v21 =	vand.u32 $0xFF, v21;
	v63 =	vld.idx.msk [tilespmem:v1+s29+$0x0 ss:$0x1], $0xffff  }
0x117: {  	s22 =	sor.u32 $0x5C0, s16;
	v24 =	vand.u32 $0xFF00, v24;
	v22 =	vshll.u32 v22, $0x10;
	v20 =	vshll.u32 v57, $0x3;
	v30 =	vld.idx.msk [tilespmem:v2+s29+$0x0 ss:$0x1], $0xffff  }
0x118: {  	v21 =	vor.u32 v21, v24;
	v22 =	vand.u32 $0xFF0000, v22;
	v19 =	vshrl.u32 v58, v20;
	v33 =	vld.idx.msk [tilespmem:v1+s22+$0x0 ss:$0x1], $0xffff  }
0x119: {  	v18 =	vshll.u32 v18, $0x3;
	s26 =	sor.u32 $0x540, s16;
	v21 =	vor.u32 v22, v21;
	v19 =	vshll.u32 v19, $0x18;
	v34 =	vld.idx.msk [tilespmem:v2+s22+$0x0 ss:$0x1], $0xffff  }
0x11a: {  	s25 =	sshrl.u32 s25, $0x2;
	v15 =	vshll.u32 v15, $0x3;
	v17 =	vshrl.u32 v17, v18;
	v31 =	vld.idx.msk [tilespmem:v1+s26+$0x0 ss:$0x1], $0xffff;
	v19 =	vor.u32 v19, v21  }
0x11b: {  	v13 =	vshrl.u32 v13, v15;
	v14 =	vshll.u32 v14, $0x3;
	v17 =	vshll.u32 v17, $0x8;
	s29 =	sor.u32 $0x630, s16;
	v32 =	vld.idx.msk [tilespmem:v2+s26+$0x0 ss:$0x1], $0xffff;
	[tilespmem:v3+s25+$0x0 ss:$0x1] =	vst.idx.msk $0xffff, v19  }
0x11c: {  	v16 =	vand.u32 $0xFF, v16;
	v13 =	vshll.u32 v13, $0x10;
	v17 =	vand.u32 $0xFF00, v17;
	v35 =	vld.idx.msk [tilespmem:v1+s29+$0x0 ss:$0x1], $0xffff  }
0x11d: {  	v12 =	vshrl.u32 v12, v14;
	v13 =	vand.u32 $0xFF0000, v13;
	v16 =	vor.u32 v16, v17;
	s30 =	sor.u32 $0x6B0, s16;
	v36 =	vld.idx.msk [tilespmem:v2+s29+$0x0 ss:$0x1], $0xffff  }
0x11e: {  	v12 =	vshll.u32 v12, $0x18;
	v13 =	vor.u32 v13, v16;
	v19 =	vld.idx.msk [tilespmem:v1+s30+$0x0 ss:$0x1], $0xffff  }
0x11f: {  	v12 =	vor.u32 v12, v13;
	s31 =	sor.u32 $0x730, s16;
	v40 =	vld.idx.msk [tilespmem:v2+s30+$0x0 ss:$0x1], $0xffff  }
0x120: {  	v41 =	vld.idx.msk [tilespmem:v2+s31+$0x0 ss:$0x1], $0xffff;
	v37 =	vshll.u32 v62, $0x3;
	v38 =	vshll.u32 v30, $0x3;
	v21 =	vshll.u32 v34, $0x3  }
0x121: {  	v42 =	vld.idx.msk [tilespmem:v1+s31+$0x0 ss:$0x1], $0xffff;
	s29 =	sor.u32 $0x7B0, s16;
	v13 =	vshrl.u32 v59, v37;
	v16 =	vshrl.u32 v63, v38;
	v39 =	vshll.u32 v32, $0x3  }
0x122: {  	v44 =	vld.idx.msk [tilespmem:v2+s29+$0x0 ss:$0x1], $0xffff;
	v15 =	vshrl.u32 v33, v21;
	v13 =	vand.u32 $0xFF, v13;
	v16 =	vshll.u32 v16, $0x8  }
0x123: {  	v18 =	vshrl.u32 v31, v39;
	v46 =	vshll.u32 v15, $0x18;
	v16 =	vand.u32 $0xFF00, v16  }
0x124: {  	s19 =	sshrl.u32 s19, $0x2;
	v47 =	vld.idx.msk [tilespmem:v1+s29+$0x0 ss:$0x1], $0xffff;
	v18 =	vshll.u32 v18, $0x10;
	v49 =	vshll.u32 v36, $0x3;
	v50 =	vshll.u32 v40, $0x3  }
0x125: {  	[tilespmem:v3+s19+$0x0 ss:$0x1] =	vst.idx.msk $0xffff, v12;
	s30 =	sor.u32 $0x270, s16;
	v51 =	vshll.u32 v41, $0x3;
	v13 =	vor.u32 v13, v16;
	v43 =	vand.u32 $0xFF0000, v18  }
0x126: {  	s31 =	sor.u32 $0x2F0, s16;
	v17 =	vld.idx.msk [tilespmem:v2+s30+$0x0 ss:$0x1], $0xffff;
	v14 =	vshrl.u32 v35, v49;
	v45 =	vor.u32 v43, v13;
	v13 =	vshrl.u32 v19, v50  }
0x127: {  	s25 =	sor.u32 $0x370, s16;
	v12 =	vld.idx.msk [tilespmem:v1+s31+$0x0 ss:$0x1], $0xffff;
	v18 =	vshll.u32 v44, $0x3;
	v19 =	vshrl.u32 v42, v51;
	v13 =	vshll.u32 v13, $0x8  }
0x128: {  	v15 =	vld.idx.msk [tilespmem:v2+s25+$0x0 ss:$0x1], $0xffff;
	v52 =	vand.u32 $0xFF, v14;
	v19 =	vshll.u32 v19, $0x10;
	v53 =	vand.u32 $0xFF00, v13  }
0x129: {  	v16 =	vld.idx.msk [tilespmem:v1+s30+$0x0 ss:$0x1], $0xffff;
	v18 =	vshrl.u32 v47, v18;
	v19 =	vand.u32 $0xFF0000, v19;
	v20 =	vor.u32 v52, v53  }
0x12a: {  	s23 =	sshrl.u32 s23, $0x2;
	s30 =	sor.u32 $0x6C0, s16;
	v14 =	vld.idx.msk [tilespmem:v2+s31+$0x0 ss:$0x1], $0xffff;
	v48 =	vor.u32 v46, v45;
	v18 =	vshll.u32 v18, $0x18;
	v19 =	vor.u32 v19, v20  }
0x12b: {  	s29 =	sor.u32 $0x450, s16;
	s31 =	sshrl.u32 s30, $0x2;
	v13 =	vld.idx.msk [tilespmem:v1+s25+$0x0 ss:$0x1], $0xffff;
	[tilespmem:v3+s23+$0x0 ss:$0x1] =	vst.idx.msk $0xffff, v48;
	v18 =	vor.u32 v18, v19  }
0x12c: {  	v54 =	vld.idx.msk [tilespmem:v1+s29+$0x0 ss:$0x1], $0xffff;
	[tilespmem:v3+s31+$0x0 ss:$0x1] =	vst.idx.msk $0xffff, v18  }
0x12d: {  	v18 =	vld.idx.msk [tilespmem:v1+s28+$0x0 ss:$0x1], $0xffff  }
0x12e: {  	v55 =	vld.idx.msk [tilespmem:v2+s28+$0x0 ss:$0x1], $0xffff  }
0x12f: {  	v56 =	vld.idx.msk [tilespmem:v1+s30+$0x0 ss:$0x1], $0xffff  }
0x130: {  	s23 =	sor.u32 $0x740, s16;
	v57 =	vld.idx.msk [tilespmem:v2+s30+$0x0 ss:$0x1], $0xffff  }
0x131: {  	s19 =	sor.u32 $0x7C0, s16;
	v58 =	vld.idx.msk [tilespmem:v2+s23+$0x0 ss:$0x1], $0xffff  }
0x132: {  	v60 =	vld.idx.msk [tilespmem:v2+s19+$0x0 ss:$0x1], $0xffff  }
0x133: {  	v59 =	vld.idx.msk [tilespmem:v1+s23+$0x0 ss:$0x1], $0xffff  }
0x134: {  	v21 =	vld.idx.msk [tilespmem:v2+s29+$0x0 ss:$0x1], $0xffff  }
0x135: {  	s29 =	sor.u32 $0x550, s16;
	v61 =	vld.idx.msk [tilespmem:v1+s19+$0x0 ss:$0x1], $0xffff  }
0x136: {  	v31 =	vld.idx.msk [tilespmem:v1+s29+$0x0 ss:$0x1], $0xffff;
	v19 =	vshll.u32 v55, $0x3;
	v23 =	vshll.u32 v57, $0x3  }
0x137: {  	v32 =	vld.idx.msk [tilespmem:v2+s29+$0x0 ss:$0x1], $0xffff;
	s28 =	sor.u32 $0x4D0, s16;
	v30 =	vshll.u32 v58, $0x3;
	v33 =	vshll.u32 v60, $0x3;
	v63 =	vshrl.u32 v56, v23  }
0x138: {  	v62 =	vld.idx.msk [tilespmem:v1+s28+$0x0 ss:$0x1], $0xffff;
	v18 =	vshrl.u32 v18, v19;
	v22 =	vshrl.u32 v59, v30;
	v19 =	vshll.u32 v63, $0x8  }
0x139: {  	s30 =	sor.u32 $0x5D0, s16;
	v29 =	vld.idx.msk [tilespmem:v2+s28+$0x0 ss:$0x1], $0xffff;
	v18 =	vand.u32 $0xFF, v18;
	v22 =	vshll.u32 v22, $0x10;
	v19 =	vand.u32 $0xFF00, v19  }
0x13a: {  	v35 =	vld.idx.msk [tilespmem:v1+s30+$0x0 ss:$0x1], $0xffff;
	v34 =	vshrl.u32 v61, v33;
	v22 =	vand.u32 $0xFF0000, v22;
	v18 =	vor.u32 v18, v19  }
0x13b: {  	s31 =	sor.u32 $0x3F0, s16;
	v36 =	vld.idx.msk [tilespmem:v2+s30+$0x0 ss:$0x1], $0xffff;
	v19 =	vshll.u32 v34, $0x18;
	v18 =	vor.u32 v22, v18  }
0x13c: {  	s24 =	sshrl.u32 s24, $0x2;
	v19 =	vor.u32 v19, v18;
	v18 =	vld.idx.msk [tilespmem:v1+s31+$0x0 ss:$0x1], $0xffff  }
0x13d: {  	s25 =	sor.u32 $0x650, s16;
	[tilespmem:v3+s24+$0x0 ss:$0x1] =	vst.idx.msk $0xffff, v19;
	v19 =	vld.idx.msk [tilespmem:v2+s31+$0x0 ss:$0x1], $0xffff  }
0x13e: {  	v39 =	vld.idx.msk [tilespmem:v1+s25+$0x0 ss:$0x1], $0xffff  }
0x13f: {  	v21 =	vshll.u32 v21, $0x3;
	s28 =	sor.u32 $0x6D0, s16;
	v37 =	vshll.u32 v29, $0x3;
	v40 =	vld.idx.msk [tilespmem:v2+s25+$0x0 ss:$0x1], $0xffff  }
0x140: {  	v20 =	vshrl.u32 v54, v21;
	v24 =	vshll.u32 v32, $0x3;
	v38 =	vshrl.u32 v62, v37;
	v41 =	vld.idx.msk [tilespmem:v2+s28+$0x0 ss:$0x1], $0xffff  }
0x141: {  	s29 =	sor.u32 $0x750, s16;
	v20 =	vand.u32 $0xFF, v20;
	v23 =	vshrl.u32 v31, v24;
	v21 =	vshll.u32 v38, $0x8;
	v43 =	vld.idx.msk [tilespmem:v1+s28+$0x0 ss:$0x1], $0xffff  }
0x142: {  	v23 =	vshll.u32 v23, $0x10;
	v21 =	vand.u32 $0xFF00, v21;
	v22 =	vshll.u32 v36, $0x3;
	s31 =	sor.u32 $0x7D0, s16;
	v45 =	vld.idx.msk [tilespmem:v2+s29+$0x0 ss:$0x1], $0xffff  }
0x143: {  	v42 =	vand.u32 $0xFF0000, v23;
	v20 =	vor.u32 v20, v21;
	v22 =	vshrl.u32 v35, v22;
	v47 =	vld.idx.msk [tilespmem:v2+s31+$0x0 ss:$0x1], $0xffff  }
0x144: {  	v20 =	vor.u32 v42, v20;
	v44 =	vshll.u32 v22, $0x18;
	v46 =	vld.idx.msk [tilespmem:v1+s29+$0x0 ss:$0x1], $0xffff  }
0x145: {  	v9 =	vshll.u32 v9, $0x3;
	s30 =	sshrl.u32 s26, $0x2;
	v20 =	vor.u32 v44, v20  }
0x146: {  	v11 =	vshll.u32 v11, $0x3;
	v8 =	vshrl.u32 v8, v9;
	s26 =	sor.u32 $0x460, s16;
	v49 =	vld.idx.msk [tilespmem:v1+s31+$0x0 ss:$0x1], $0xffff;
	[tilespmem:v3+s30+$0x0 ss:$0x1] =	vst.idx.msk $0xffff, v20  }
0x147: {  	v48 =	vshrl.u32 v10, v11;
	v51 =	vld.idx.msk [tilespmem:v1+s26+$0x0 ss:$0x1], $0xffff;
	v50 =	vshll.u32 v41, $0x3;
	v24 =	vshll.u32 v40, $0x3  }
0x148: {  	s28 =	sor.u32 $0x4E0, s16;
	v52 =	vld.idx.msk [tilespmem:v2+s26+$0x0 ss:$0x1], $0xffff;
	v22 =	vshll.u32 v45, $0x3;
	v20 =	vshll.u32 v47, $0x3;
	v11 =	vshrl.u32 v43, v50  }
0x149: {  	v53 =	vld.idx.msk [tilespmem:v2+s28+$0x0 ss:$0x1], $0xffff;
	v24 =	vshrl.u32 v39, v24;
	v21 =	vshrl.u32 v46, v22;
	v11 =	vshll.u32 v11, $0x8  }
0x14a: {  	s29 =	sor.u32 $0x560, s16;
	v54 =	vld.idx.msk [tilespmem:v1+s28+$0x0 ss:$0x1], $0xffff;
	v24 =	vand.u32 $0xFF, v24;
	v21 =	vshll.u32 v21, $0x10;
	v11 =	vand.u32 $0xFF00, v11  }
0x14b: {  	v55 =	vld.idx.msk [tilespmem:v2+s29+$0x0 ss:$0x1], $0xffff;
	v10 =	vshrl.u32 v49, v20;
	v21 =	vand.u32 $0xFF0000, v21;
	v11 =	vor.u32 v24, v11  }
0x14c: {  	v6 =	vshll.u32 v6, $0x3;
	s30 =	sor.u32 $0x5E0, s16;
	v56 =	vld.idx.msk [tilespmem:v1+s29+$0x0 ss:$0x1], $0xffff;
	v10 =	vshll.u32 v10, $0x18;
	v11 =	vor.u32 v21, v11  }
0x14d: {  	v4 =	vshrl.u32 v4, v6;
	v9 =	vshll.u32 v48, $0x8;
	s23 =	sshrl.u32 s23, $0x2;
	v58 =	vld.idx.msk [tilespmem:v2+s30+$0x0 ss:$0x1], $0xffff;
	v57 =	vor.u32 v10, v11  }
0x14e: {  	v8 =	vand.u32 $0xFF, v8;
	v4 =	vshll.u32 v4, $0x10;
	v9 =	vand.u32 $0xFF00, v9;
	s31 =	sor.u32 $0x660, s16;
	v61 =	vld.idx.msk [tilespmem:v1+s30+$0x0 ss:$0x1], $0xffff;
	[tilespmem:v3+s23+$0x0 ss:$0x1] =	vst.idx.msk $0xffff, v57  }
0x14f: {  	v4 =	vand.u32 $0xFF0000, v4;
	v8 =	vor.u32 v8, v9;
	v63 =	vld.idx.msk [tilespmem:v1+s31+$0x0 ss:$0x1], $0xffff  }
0x150: {  	v59 =	vshll.u32 v7, $0x3;
	s24 =	sor.u32 $0x6E0, s16;
	v60 =	vshll.u32 v53, $0x3;
	v62 =	vshll.u32 v52, $0x3;
	v24 =	vld.idx.msk [tilespmem:v2+s31+$0x0 ss:$0x1], $0xffff  }
0x151: {  	v20 =	vshll.u32 v55, $0x3;
	v7 =	vshrl.u32 v54, v60;
	v6 =	vshrl.u32 v51, v62;
	v25 =	vld.idx.msk [tilespmem:v1+s24+$0x0 ss:$0x1], $0xffff  }
0x152: {  	s25 =	sor.u32 $0x760, s16;
	v20 =	vshrl.u32 v56, v20;
	v7 =	vshll.u32 v7, $0x8;
	v6 =	vand.u32 $0xFF, v6;
	v27 =	vld.idx.msk [tilespmem:v2+s24+$0x0 ss:$0x1], $0xffff  }
0x153: {  	s26 =	sor.u32 $0x7E0, s16;
	v26 =	vshll.u32 v20, $0x10;
	v7 =	vand.u32 $0xFF00, v7;
	v10 =	vshll.u32 v58, $0x3;
	v28 =	vld.idx.msk [tilespmem:v2+s25+$0x0 ss:$0x1], $0xffff  }
0x154: {  	v6 =	vor.u32 v6, v7;
	v7 =	vand.u32 $0xFF0000, v26;
	v9 =	vshrl.u32 v61, v10;
	v31 =	vld.idx.msk [tilespmem:v2+s26+$0x0 ss:$0x1], $0xffff  }
0x155: {  	v5 =	vshrl.u32 v5, v59;
	v6 =	vor.u32 v7, v6;
	v29 =	vshll.u32 v9, $0x18;
	v30 =	vld.idx.msk [tilespmem:v1+s25+$0x0 ss:$0x1], $0xffff  }
0x156: {  	s20 =	sshrl.u32 s20, $0x2;
	v4 =	vor.u32 v4, v8;
	v5 =	vshll.u32 v5, $0x18;
	v6 =	vor.u32 v29, v6  }
0x157: {  	v4 =	vor.u32 v5, v4;
	s28 =	sor.u32 $0x470, s16;
	v32 =	vld.idx.msk [tilespmem:v1+s26+$0x0 ss:$0x1], $0xffff;
	[tilespmem:v3+s20+$0x0 ss:$0x1] =	vst.idx.msk $0xffff, v6  }
0x158: {  	v5 =	vshll.u32 v17, $0x3;
	v33 =	vld.idx.msk [tilespmem:v1+s28+$0x0 ss:$0x1], $0xffff;
	v34 =	vshll.u32 v24, $0x3;
	v35 =	vshll.u32 v27, $0x3  }
0x159: {  	s29 =	sor.u32 $0x4F0, s16;
	v36 =	vld.idx.msk [tilespmem:v2+s28+$0x0 ss:$0x1], $0xffff;
	v10 =	vshll.u32 v28, $0x3;
	v7 =	vshll.u32 v31, $0x3;
	v17 =	vshrl.u32 v25, v35  }
0x15a: {  	v37 =	vld.idx.msk [tilespmem:v1+s29+$0x0 ss:$0x1], $0xffff;
	v11 =	vshrl.u32 v63, v34;
	v9 =	vshrl.u32 v30, v10;
	v17 =	vshll.u32 v17, $0x8  }
0x15b: {  	s30 =	sor.u32 $0x570, s16;
	v38 =	vld.idx.msk [tilespmem:v2+s29+$0x0 ss:$0x1], $0xffff;
	v11 =	vand.u32 $0xFF, v11;
	v9 =	vshll.u32 v9, $0x10;
	v17 =	vand.u32 $0xFF00, v17  }
0x15c: {  	v39 =	vld.idx.msk [tilespmem:v1+s30+$0x0 ss:$0x1], $0xffff;
	v6 =	vshrl.u32 v32, v7;
	v9 =	vand.u32 $0xFF0000, v9;
	v11 =	vor.u32 v11, v17  }
0x15d: {  	v14 =	vshll.u32 v14, $0x3;
	s31 =	sor.u32 $0x5F0, s16;
	v40 =	vld.idx.msk [tilespmem:v2+s30+$0x0 ss:$0x1], $0xffff;
	v6 =	vshll.u32 v6, $0x18;
	v9 =	vor.u32 v9, v11  }
0x15e: {  	s21 =	sshrl.u32 s21, $0x2;
	v12 =	vshrl.u32 v12, v14;
	v42 =	vld.idx.msk [tilespmem:v1+s31+$0x0 ss:$0x1], $0xffff;
	v6 =	vor.u32 v6, v9  }
0x15f: {  	v5 =	vshrl.u32 v16, v5;
	v41 =	vshll.u32 v15, $0x3;
	s23 =	sor.u32 $0x670, s16;
	v43 =	vld.idx.msk [tilespmem:v2+s31+$0x0 ss:$0x1], $0xffff;
	[tilespmem:v3+s21+$0x0 ss:$0x1] =	vst.idx.msk $0xffff, v6  }
0x160: {  	v12 =	vshll.u32 v12, $0x8;
	v5 =	vand.u32 $0xFF, v5;
	v13 =	vshrl.u32 v13, v41;
	v47 =	vld.idx.msk [tilespmem:v1+s23+$0x0 ss:$0x1], $0xffff  }
0x161: {  	v44 =	vand.u32 $0xFF00, v12;
	v46 =	vshll.u32 v19, $0x3;
	v45 =	vshll.u32 v13, $0x10;
	s24 =	sor.u32 $0x6F0, s16;
	v50 =	vld.idx.msk [tilespmem:v2+s23+$0x0 ss:$0x1], $0xffff  }
0x162: {  	v5 =	vor.u32 v5, v44;
	v49 =	vshrl.u32 v18, v46;
	v48 =	vand.u32 $0xFF0000, v45;
	v52 =	vld.idx.msk [tilespmem:v2+s24+$0x0 ss:$0x1], $0xffff  }
0x163: {  	v51 =	vshll.u32 v49, $0x18;
	v5 =	vor.u32 v48, v5;
	s25 =	sor.u32 $0x770, s16;
	v10 =	vshll.u32 v38, $0x3;
	v53 =	vld.idx.msk [tilespmem:v1+s24+$0x0 ss:$0x1], $0xffff  }
0x164: {  	s16 =	sor.u32 $0x7F0, s16;
	v16 =	vshll.u32 v36, $0x3;
	v10 =	vshrl.u32 v37, v10;
	v11 =	vshll.u32 v40, $0x3;
	v54 =	vld.idx.msk [tilespmem:v2+s25+$0x0 ss:$0x1], $0xffff  }
0x165: {  	v8 =	vshrl.u32 v33, v16;
	v10 =	vshll.u32 v10, $0x8;
	v7 =	vshrl.u32 v39, v11;
	v57 =	vld.idx.msk [tilespmem:v2+s16+$0x0 ss:$0x1], $0xffff  }
0x166: {  	v8 =	vand.u32 $0xFF, v8;
	v10 =	vand.u32 $0xFF00, v10;
	v7 =	vshll.u32 v7, $0x10;
	v55 =	vld.idx.msk [tilespmem:v1+s25+$0x0 ss:$0x1], $0xffff  }
0x167: {  	v58 =	vshll.u32 v43, $0x3;
	v56 =	vor.u32 v8, v10;
	v7 =	vand.u32 $0xFF0000, v7  }
0x168: {  	v5 =	vor.u32 v51, v5;
	v60 =	vld.idx.msk [tilespmem:v1+s16+$0x0 ss:$0x1], $0xffff;
	v6 =	vor.u32 v7, v56;
	v7 =	vshrl.u32 v42, v58  }
0x169: {  	v7 =	vshll.u32 v7, $0x18;
	v59 =	vshll.u32 v52, $0x3;
	v61 =	vshll.u32 v50, $0x3  }
0x16a: {  	v11 =	vshll.u32 v54, $0x3;
	v8 =	vshll.u32 v57, $0x3;
	v9 =	vshrl.u32 v53, v59  }
0x16b: {  	p0 =	slt.u32 s15, $0xC;
	v12 =	vshrl.u32 v47, v61;
	v11 =	vshrl.u32 v55, v11;
	v9 =	vshll.u32 v9, $0x8  }
.Ltmp6:
0x16c: {  	s26 =	sshra.s32 s17, $0x2;
	v12 =	vand.u32 $0xFF, v12;
	v11 =	vshll.u32 v11, $0x10;
	v9 =	vand.u32 $0xFF00, v9;
	(pc) =	sbr.rel @p0 .LBB2_8-.Ltmp6, $4  }
0x16d: {  	[tilespmem:v3+s26+$0x0 ss:$0x1] =	vst.idx.msk $0xffff, v4;
	s28 =	sshrl.u32 s18, $0x2;
	v4 =	vshrl.u32 v60, v8;
	v62 =	vand.u32 $0xFF0000, v11;
	v9 =	vor.u32 v12, v9  }
0x16e: {  	s29 =	sshrl.u32 s22, $0x2;
	[tilespmem:v3+s28+$0x0 ss:$0x1] =	vst.idx.msk $0xffff, v5;
	v5 =	vor.u32 v7, v6;
	v4 =	vshll.u32 v4, $0x18;
	v63 =	vor.u32 v62, v9  }
0x16f: {  	s30 =	sshrl.u32 s19, $0x2;
	s31 =	sadd.s32 $0x4, s15;
	[tilespmem:v3+s29+$0x0 ss:$0x1] =	vst.idx.msk $0xffff, v5;
	v4 =	vor.u32 v4, v63  }
0x170: {  	s15 =	smov.u32 s31;
	[tilespmem:v3+s30+$0x0 ss:$0x1] =	vst.idx.msk $0xffff, v4  }
.Ltmp7:
0x171: {  	(pc) =	sbr.rel .LBB2_10-.Ltmp7, $4  }
0x172: {  	_ = 	snop  }
0x173: {  	s15 =	sshrl.u32 s13, $0x2;
	s31 =	sshrl.u32 s13, $0x5  }
0x174: {  	s13 =	sadd.s32 s31, s3;
	s15 =	sand.u32 $0x7, s15  }
0x175: {  	[hbm4b:s13+s15] =	stream.linear.scatter [tilespmem:s14], [sflag:$0x4], $0x800, $0x38;
	[tilespmem:$0xB000] =	vst v63  }
.LBB2_12:
0x176: {  	s2 =	simm.s32 $0x4  }
0x177: {  	_ =	swait.ge [sflag:s2], $0x800  }
0x178: {  	[sflag:s2] =	ssyncset.done $0x0  }
0x179: {  	[sflag:s2] =	ssyncadd.s32 $0xFFFFF800  }
0x17a: {  	_ =	sfence.sel $0x180000  }
0x17b: {  	s3 =	simm.s32 $0x2;
	[bflag:$0x0] =	sbarrier.arrive $0xFFFF  }
0x17c: {  	s30 =	simm.s32 $0x3;
	[sflag:s3] =	ssyncpa.u1 $0x1  }
0x17d: {  	[sflag:s30] =	ssyncpa.u1 $0x1  }
0x17e: {  	s31 =	simm.s32 $0x1;
	[sflag:s2] =	ssyncpa.u1 $0x1  }
0x17f: {  	[sflag:s31] =	ssyncpa.u1 $0x1  }
0x180: {  	p0 =	sne.s32 s1, $0x0;
	_ =	strace $0x9000004A  }
0x181: {  	s0 =	sadd.s32 @!p0 $0x100000, s0;
	[bflag:$0x2] =	sbarrier.arrive $0xFFFF  }
0x182: {  	[sflag:s0] =	ssyncadd.tile.s32 @!p0 $0x1;
	_ =	shalt  }
.Lfunc_end2:
_tile_overlayer_lowered:
.L_overlay_start_2:
0x183: {  	(tag) =	ssettag $0x2  }
0x184: {  	s0 =	rddreg [dreg:$0x0];
	s2 =	stileid.u32  }
0x185: {  	s1 =	rddreg [dreg:$0x1];
	p0 =	sne.s32 s2, $0x0  }
0x186: {  	s3 =	rddreg [dreg:$0x2];
	[bflag:$0x3] =	sbarrier.arrive $0xFFFF;
	s2 =	simm.s32 @!p0 $0x1C01  }
0x187: {  	[timem:s3], [sflag:s2] =	dma.local @!p0 [hbm:s0], s1  }
0x188: {  	s0 =	simm.s32 @!p0 $0x1  }
0x189: {  	_ =	swait.ge @!p0 [sflag:s0], s1  }
0x18a: {  	s1 =	ssub.s32 @!p0 $0x0, s1;
	[sflag:s0] =	ssyncset.done @!p0 $0x0  }
0x18b: {  	[sflag:s0] =	ssyncadd.s32 @!p0 s1  }
0x18c: {  	[bflag:$0x3] =	sbarrier.arrive $0xFFFF  }
0x18d: {  	_ =	shalt  }

// kernel: gather_offload_async_start.2
scs
__scs_entry_jumppad:
0x0: {  	(pc) =	sbr.rel $0x88, $3  }
0x1: {  	(tag) =	ssettag $0x0;
	lr =	simm.s32 $0x1  }
0x2: {  	[smem:$0x3F9D] =	sst lr;
	_ =	strace $0xD0000000  }
0x3: {  	_ = 	snop  }
0x4: {  	_ = 	snop  }
0x5: {  	_ = 	snop  }
0x6: {  	_ = 	snop  }
0x7: {  	_ = 	snop  }
__scs_overlays_trampoline_lowered:
0x8: {  	[smem:$0x3FAC] =	sst s0  }
0x9: {  	[smem:$0x3FAD] =	sst s1  }
0xa: {  	[smem:$0x3FAE] =	sst s2  }
0xb: {  	[smem:$0x3FAF] =	sst s3  }
0xc: {  	[smem:$0x3FB0] =	sst s4  }
0xd: {  	[smem:$0x3FB1] =	sst s5  }
0xe: {  	[smem:$0x3FB2] =	sst s6  }
0xf: {  	[smem:$0x3FB3] =	sst s7  }
0x10: {  	[smem:$0x3FB4] =	sst s8  }
0x11: {  	[smem:$0x3FB5] =	sst s9;
	s0 =	simm.s32 @!p0 $0x0  }
0x12: {  	s1 =	sld [smem:$0x3F9B];
	s0 =	simm.s32 @p0 $0x1  }
0x13: {  	[smem:$0x3FB6] =	sst s0;
	s0 =	simm.s32 @!p1 $0x0  }
0x14: {  	s2 =	sld [smem:$0x3F9A];
	s0 =	simm.s32 @p1 $0x1  }
0x15: {  	[smem:$0x3FB7] =	sst s0;
	s0 =	simm.s32 @!p2 $0x0  }
0x16: {  	s3 =	sld [smem:$0x3FDB];
	s0 =	simm.s32 @p2 $0x1  }
0x17: {  	s4 =	simm.s32 $0x1BF5;
	[smem:$0x3FB9] =	sst s0  }
0x18: {  	s0 =	sld [smem:$0x3F9C];
	_ =	swait.ge [sflag:s4], $0x0  }
0x19: {  	s7 =	sld [smem:$0x3F9D]  }
0x1a: {  	s8 =	sadd.s32 $0xFFFFE003, lr  }
0x1b: {  	s9 =	sadd.s32 $0xFFFFFEF7, lr;
	s5 =	simm.s32 $0xFFFFFFFF;
	p2 =	slt.u32 s8, $0xFFFFF086  }
0x1c: {  	p1 =	slt.u32 s9, $0xF7A;
	s5 =	simm.s32 @!p2 $0x0  }
0x1d: {  	s5 =	simm.s32 @p1 $0x1;
	p0 =	seq.s32 s7, s2  }
0x1e: {  	s7 =	smul.u32 @!p0 $0xF7A, s2;
	p2 =	seq.s32 @!p0 s5, $0x0  }
0x1f: {  	s9 =	smul.u32 $0xF7A, s1;
	s8 =	simm.s32 @!p0 $0x1BF5;
	p2 =	por !p2, p0  }
0x20: {  	[sflag:s8] =	ssyncset.s32 @!p0 $0xFFFFF086;
	s6 =	sadd.s32 @!p0 s3, s7;
	s7 =	simm.s32 @!p0 $0x108  }
0x21: {  	s3 =	sadd.s32 s3, s9;
	s6 =	sadd.s32 @!p0 $0x88, s6;
	s7 =	simm.s32 @p2 $0x1082  }
0x22: {  	[simem:s7], [sflag:s8] =	dma.local @!p0 [hbm:s6], $0xF7A  }
0x23: {  	s9 =	sor.u32 $0xD0000000, s2;
	s6 =	simm.s32 $0x108;
	_ =	swait.ge @!p0 [sflag:s8], $0x0  }
0x24: {  	s3 =	sadd.s32 $0x88, s3;
	s6 =	simm.s32 @!p1 $0x1082;
	[sflag:s4] =	ssyncset.s32 $0xFFFFF086  }
0x25: {  	[simem:s6], [sflag:s4] =	dma.local [hbm:s3], $0xF7A  }
0x26: {  	[smem:$0x3F9D] =	sst s1;
	(tag) =	ssettag s2;
	_ =	strace s9  }
0x27: {  	s1 =	sld [smem:$0x3FAD]  }
0x28: {  	s2 =	sld [smem:$0x3FAE]  }
0x29: {  	s4 =	sld [smem:$0x3FB0]  }
0x2a: {  	p0 =	seq.s32 s5, $0x0;
	s5 =	sld [smem:$0x3FB1]  }
0x2b: {  	s6 =	sld [smem:$0x3FB2]  }
0x2c: {  	s7 =	sld [smem:$0x3FB3]  }
0x2d: {  	s3 =	simm.s32 $0x108;
	s8 =	sld [smem:$0x3FB4]  }
0x2e: {  	s3 =	simm.s32 @!p0 $0x1082;
	s9 =	sld [smem:$0x3FB5]  }
0x2f: {  	lr =	sadd.s32 s0, s3;
	s0 =	sld [smem:$0x3FAC]  }
0x30: {  	s3 =	sld [smem:$0x3FAF]  }
0x31: {  	[smem:$0x3FB8] =	sst s10  }
0x32: {  	s10 =	sld [smem:$0x3FB6];
	_ =	sdelay $0x3  }
0x33: {  	p0 =	seq.s32 s10, $0x1;
	s10 =	sld [smem:$0x3FB8];
	_ =	sdelay $0x3  }
0x34: {  	[smem:$0x3FB8] =	sst s10  }
0x35: {  	s10 =	sld [smem:$0x3FB7];
	_ =	sdelay $0x3  }
0x36: {  	p1 =	seq.s32 s10, $0x1;
	s10 =	sld [smem:$0x3FB8];
	_ =	sdelay $0x3  }
0x37: {  	[smem:$0x3FB8] =	sst s10  }
0x38: {  	s10 =	sld [smem:$0x3FB9]  }
0x39: {  	_ = 	snop;
	(pc) =	sbr.ind lr, $3  }
0x3a: {  	_ = 	snop  }
0x3b: {  	_ = 	snop  }
0x3c: {  	p2 =	seq.s32 s10, $0x1;
	s10 =	sld [smem:$0x3FB8]  }
0x3d: {  	_ =	shalt  }
0x3e: {  	_ =	shalt  }
0x3f: {  	_ =	shalt  }
0x40: {  	_ =	shalt  }
0x41: {  	_ =	shalt  }
0x42: {  	_ =	shalt  }
0x43: {  	_ =	shalt  }
0x44: {  	_ =	shalt  }
0x45: {  	_ =	shalt  }
0x46: {  	_ =	shalt  }
0x47: {  	_ =	shalt  }
0x48: {  	_ =	shalt  }
0x49: {  	_ =	shalt  }
0x4a: {  	_ =	shalt  }
0x4b: {  	_ =	shalt  }
0x4c: {  	_ =	shalt  }
0x4d: {  	_ =	shalt  }
0x4e: {  	_ =	shalt  }
0x4f: {  	_ =	shalt  }
0x50: {  	_ =	shalt  }
0x51: {  	_ =	shalt  }
0x52: {  	_ =	shalt  }
0x53: {  	_ =	shalt  }
0x54: {  	_ =	shalt  }
0x55: {  	_ =	shalt  }
0x56: {  	_ =	shalt  }
0x57: {  	_ =	shalt  }
0x58: {  	_ =	shalt  }
0x59: {  	_ =	shalt  }
0x5a: {  	_ =	shalt  }
0x5b: {  	_ =	shalt  }
0x5c: {  	_ =	shalt  }
0x5d: {  	_ =	shalt  }
0x5e: {  	_ =	shalt  }
0x5f: {  	_ =	shalt  }
0x60: {  	_ =	shalt  }
0x61: {  	_ =	shalt  }
0x62: {  	_ =	shalt  }
0x63: {  	_ =	shalt  }
0x64: {  	_ =	shalt  }
0x65: {  	_ =	shalt  }
0x66: {  	_ =	shalt  }
0x67: {  	_ =	shalt  }
0x68: {  	_ =	shalt  }
0x69: {  	_ =	shalt  }
0x6a: {  	_ =	shalt  }
0x6b: {  	_ =	shalt  }
0x6c: {  	_ =	shalt  }
0x6d: {  	_ =	shalt  }
0x6e: {  	_ =	shalt  }
0x6f: {  	_ =	shalt  }
0x70: {  	_ =	shalt  }
0x71: {  	_ =	shalt  }
0x72: {  	_ =	shalt  }
0x73: {  	_ =	shalt  }
0x74: {  	_ =	shalt  }
0x75: {  	_ =	shalt  }
0x76: {  	_ =	shalt  }
0x77: {  	_ =	shalt  }
0x78: {  	_ =	shalt  }
0x79: {  	_ =	shalt  }
0x7a: {  	_ =	shalt  }
0x7b: {  	_ =	shalt  }
0x7c: {  	_ =	shalt  }
0x7d: {  	_ =	shalt  }
0x7e: {  	_ =	shalt  }
0x7f: {  	_ =	shalt  }
0x80: {  	_ =	shalt  }
0x81: {  	_ =	shalt  }
0x82: {  	_ =	shalt  }
0x83: {  	_ =	shalt  }
0x84: {  	_ =	shalt  }
0x85: {  	_ =	shalt  }
0x86: {  	_ =	shalt  }
0x87: {  	_ =	shalt  }
.Lfunc_end0:
.L_simem_size_0:
called_computation.2_lowered:
.L_overlay_start_0:
0x88: {  	s2 =	sld [smem:$0x3FD9]  }
0x89: {  	s3 =	sld [smem:$0x3FFE];
	_ =	sdelay $0x1  }
0x8a: {  	s1 =	srdreg.scid  }
0x8b: {  	s0 =	sand.u32 $0x1, s1  }
0x8c: {  	s14 =	sshll.u32 s0, $0xA;
	s2 =	sadd.s32 s3, s2  }
0x8d: {  	s2 =	sadd.s32 s2, s14  }
0x8e: {  	[smem:$0x3FC4] =	sst s2  }
0x8f: {  	_ = 	snop  }
0x90: {  	s2 =	sld [smem:$0x3FD0];
	_ =	sdelay $0x2  }
0x91: {  	s15 =	simm.s32 $0xA;
	s4 =	simm.s32 $0x10  }
0x92: {  	[smem:s4], [sflag:s15] =	dma.local [hbm:s2], $0x1  }
0x93: {  	_ =	swait.eq [sflag:s15], $0x1  }
0x94: {  	[sflag:s15] =	ssyncset.done $0x0  }
0x95: {  	s16 =	sld [smem:$0x11];
	[sflag:s15] =	ssyncadd.s32 $0xFFFFFFFF  }
0x96: {  	s17 =	sld [smem:$0x13];
	(tm) =	ssettm $0x1  }
0x97: {  	s18 =	sld [smem:$0x3FFB];
	_ =	sdelay $0x3  }
0x98: {  	_ =	strace s18  }
0x99: {  	s4 =	sld [smem:$0x3FFC];
	_ =	sdelay $0x3  }
0x9a: {  	_ =	strace s4  }
0x9b: {  	s4 =	sld [smem:$0x3FFD];
	_ =	sdelay $0x3  }
0x9c: {  	_ =	strace s4  }
0x9d: {  	_ =	strace $0x8FFFFFFF  }
0x9e: {  	s19 =	sld [smem:$0x3FDB];
	_ =	sdelay $0x1  }
0x9f: {  	s5 =	simm.s32 $_scs_section_size  }
0xa0: {  	s6 =	simm.s32 $_size__tile_overlayer_lowered;
	s7 =	simm.s32 $_tile_overlayer_lowered  }
0xa1: {  	s22 =	simm.s32 $0x1BFF;
	s21 =	sshll.u32 s7, $0x1;
	s4 =	sadd.s32 s5, s19  }
0xa2: {  	s8 =	simm.s32 $0x0;
	s20 =	sshll.u32 s6, $0x1;
	s6 =	sadd.s32 s21, s4  }
0xa3: {  	[timem:s8], [sflag:s22] =	dma.local [hbm:s6], s20  }
0xa4: {  	_ =	swait.ge [sflag:s22], s20  }
0xa5: {  	s5 =	ssub.s32 $0x0, s20;
	[sflag:s22] =	ssyncset.done $0x0  }
0xa6: {  	[sflag:s22] =	ssyncadd.s32 s5;
	_ =	sdelay $0x1  }
0xa7: {  	s23 =	simm.s32 $0x1B8B  }
0xa8: {  	_ =	swait.ge [sflag:s23], $0x1  }
0xa9: {  	[sflag:s23] =	ssyncset.done $0x0  }
0xaa: {  	s25 =	simm.s32 $0x1B8E;
	s24 =	sld [smem:$0x3FFE];
	[sflag:s23] =	ssyncadd.s32 $0xFFFFFFFF  }
0xab: {  	s26 =	simm.s32 $execute0_lowered;
	[smem:$0x3FD2] =	sst s25  }
0xac: {  	s6 =	sshll.u32 s26, $0x1;
	_ =	strace $0x8000004F;
	[dreg:$0x1] =	wrdreg $0xFFFFFFFF  }
0xad: {  	s28 =	simm.s32 $_size_execute0_lowered;
	s4 =	sadd.s32 s4, s6;
	[dreg:$0x0] =	wrdreg $0x0  }
0xae: {  	s6 =	sshll.u32 s28, $0x1;
	[dreg:$0x2] =	wrdreg s4  }
0xaf: {  	[dreg:$0x3] =	wrdreg s6  }
0xb0: {  	[dreg:$0x4] =	wrdreg $0xC0  }
0xb1: {  	_ =	task [dreg:s8], $0x5FFFF  }
0xb2: {  	[dreg:$0x1] =	wrdreg $0xFFFFFFFF  }
0xb3: {  	[dreg:$0x0] =	wrdreg $0x60  }
0xb4: {  	[dreg:$0x2] =	wrdreg s24  }
0xb5: {  	[dreg:$0x3] =	wrdreg s17  }
0xb6: {  	[dreg:$0x4] =	wrdreg s16  }
0xb7: {  	[dreg:$0x5] =	wrdreg $0x9  }
0xb8: {  	_ =	task.clear_ibuf [dreg:s8], $0x6FFFF;
	_ =	strace $0x9000004F  }
0xb9: {  	s29 =	simm.s32 $0x9;
	_ =	strace $0x80000051  }
0xba: {  	_ =	swait.ge [sflag:s29], $0x1  }
0xbb: {  	[sflag:s29] =	ssyncadd.s32 $0xFFFFFFFF  }
0xbc: {  	_ =	strace $0x90000051  }
0xbd: {  	_ =	sfence  }
0xbe: {  	s30 =	sld [smem:$0x0];
	_ =	sdelay $0x2  }
0xbf: {  	s31 =	sshll.u32 s1, $0xD;
	s1 =	sshrl.u32 s1, $0x2  }
0xc0: {  	s3 =	sand.u32 $0x4000, s31;
	s1 =	sadd.s32 s1, s30  }
0xc1: {  	s0 =	sor.u32 s3, s0;
	s1 =	sshll.u32 s1, $0x11  }
0xc2: {  	s0 =	sor.u32 s1, s0  }
0xc3: {  	s0 =	sadd.s32 $0x8F2B, s0  }
0xc4: {  	[sflag:s0] =	ssyncadd.remote.s32 $0x1  }
0xc5: {  	_ =	sfence.sel $0xFFFF  }
0xc6: {  	[dreg:$0x0] =	wrdreg $0xFFFFFFFF;
	(pc) =	sbr.abs _section_cstart, $3  }
0xc7: {  	[dreg:$0x1] =	wrdreg $0xFFFFFFFF  }
0xc8: {  	_ =	task.clear_ibuf [dreg:s8], $0x2FFFF;
	_ =	strace $0x9FFFFFFF  }
0xc9: {  	(tm) =	ssettm $0x7FFFFFFF  }
tec
execute0_lowered:
.L_overlay_start_1:
0x0: {  	(tag) =	ssettag $0x1  }
0x1: {  	s1 =	srdreg.scid;
	s2 =	rddreg [dreg:$0x0]  }
0x2: {  	s0 =	stileid.u32;
	s3 =	rddreg [dreg:$0x1]  }
0x3: {  	s4 =	rddreg [dreg:$0x2];
	s6 =	simm.s32 $0x1;
	s1 =	sshll.u32 s1, $0xC  }
0x4: {  	s9 =	simm.s32 $0x1;
	s5 =	sshll.u32 s0, $0xD;
	s1 =	sand.u32 $0x1000, s1  }
0x5: {  	s10 =	simm.s32 $0x3;
	s13 =	simm.s32 $0x0;
	s5 =	sor.u32 s5, s1  }
0x6: {  	s12 =	simm.s32 $0x0;
	s1 =	rddreg [dreg:$0x3];
	s8 =	ssub.s32 $0x40000, s5  }
.Ltmp0:
0x7: {  	_ =	strace $0x80000050;
	s7 =	sand.u32 $0x1F000, s8;
	(pc) =	sbr.rel .LBB2_1-.Ltmp0, $4  }
0x8: {  	[sflag:s6] =	ssyncpa.u1 $0x0;
	s11 =	smov.u32 s5;
	p0 =	sne.s32 s7, $0x0  }
0x9: {  	s8 =	sshrl.u32 s8, $0x11;
	s7 =	simm.s32 $0x2;
	s9 =	simm.s32 @!p0 $0x0  }
0xa: {  	[sflag:s7] =	ssyncpa.u1 $0x0;
	p0 =	por $0x0, $0x0;
	s8 =	sadd.s32 s9, s8  }
0xb: {  	vm0 =	vmmov $0xffff;
	[sflag:s10] =	ssyncpa.u1 $0x0;
	s10 =	simm.s32 $0x0;
	s9 =	sadd.s32 $0x1, s8  }
.LBB2_4:
0xc: {  	v5 =	vshrl.u32 v1, $0xE;
	v6 =	vshll.u32 v1, $0x7  }
0xd: {  	vm1 =	veq.s32 v1, $0x80000000;
	v58 =	vand.u32 $0xF, v5;
	v59 =	vand.u32 $0x1FFF80, v6  }
0xe: {  	v1 =	vsel vm1, $0xFFFFFFFF, v58;
	v5 =	vsel vm1, $0xFFFFFF80, v59  }
0xf: {  	v3 =	vor.u32 v4, v3;
	v60 =	vand.u32 $0xFFFFFC00, v5;
	v61 =	vand.u32 $0xFFFFFC00, v1  }
0x10: {  	v2 =	vor.u32 v2, v3;
	v63 =	vand.u32 $0x380, v5;
	v62 =	vadd.s32 v61, v60  }
0x11: {  	v1 =	vand.u32 $0x7F, v1;
	v3 =	vor.u32 v63, v62  }
0x12: {  	v1 =	vor.u32 v1, v3  }
0x13: {  	[tilespmem:s15], [sflag:$0x1] =	stream.indirect_vreg.gather [hbm4b:s2+s10], $0x1, v0, vm0, $0x4038;
	[tilespmem:$0x4000] =	vst v63  }
0x14: {  	(ifvalue) =	ssetifvalue $0x7FFFFFFF  }
0x15: {  	[tilespmem:s16], [sflag:$0x1] =	stream.indirect_vreg.gather [hbm4b:s2+s10], $0x1, v2, vm0, $0x4038;
	[tilespmem:$0x4000] =	vst v63  }
0x16: {  	s29 =	sadd.s32 $0x10, s16;
	(ifvalue) =	ssetifvalue $0x7FFFFFFF  }
0x17: {  	[tilespmem:s29], [sflag:$0x1] =	stream.indirect_vreg.gather [hbm4b:s2+s10], $0x1, v1, vm0, $0x4038;
	[tilespmem:$0x4000] =	vst v63  }
0x18: {  	_ =	swait.ge [sflag:s6], $0x1000  }
0x19: {  	s30 =	sshrl.u32 s13, $0x3;
	[sflag:s6] =	ssyncset.done $0x0  }
0x1a: {  	s31 =	sand.u32 $0x7, s13;
	s15 =	sadd.s32 s4, s30;
	[sflag:s6] =	ssyncadd.s32 $0xFFFFF000  }
0x1b: {  	[hbm4b:s15+s31] =	stream.linear.scatter [tilespmem:s14], [sflag:$0x3], $0x1000, $0x38;
	[tilespmem:$0x4000] =	vst v63  }
.LBB2_5:
0x1c: {  	s15 =	sadd.s32 $0x20000, s11  }
0x1d: {  	p2 =	sgt.s32 s15, $0x3FFFF  }
0x1e: {  	s15 =	smov.u32 @p2 s5;
	p2 =	sne.s32 s12, s9  }
.Ltmp1:
0x1f: {  	p1 =	slt.u32 s12, $0x2;
	(pc) =	sbr.rel @!p2 .LBB2_6-.Ltmp1, $4  }
0x20: {  	s14 =	simm.s32 @!p1 $0x3  }
0x21: {  	s16 =	sadd.s32 $0x1, s12;
	_ =	swait.ge @!p1 [sflag:s14], $0x1000  }
0x22: {  	s13 =	smov.u32 s11;
	p0 =	por !p0, !p0;
	[sflag:s14] =	ssyncset.done @!p1 $0x0  }
0x23: {  	s12 =	smov.u32 s16;
	s11 =	smov.u32 s15;
	[sflag:s14] =	ssyncadd.s32 @!p1 $0xFFFFF000  }
.LBB2_1:
0x24: {  	p1 =	sge.u32 s12, s8  }
0x25: {  	s14 =	sxor.u32 @!p1 $0xFFFFFFFF, s12  }
0x26: {  	s31 =	sadd.s32 $0xFFFFFFFF, s12;
	s15 =	sshrl.u32 @!p1 s11, $0x3;
	s14 =	sshll.u32 @!p1 s14, $0xC  }
0x27: {  	s16 =	sand.u32 @!p1 $0x7, s11;
	s15 =	sadd.s32 @!p1 s3, s15;
	s14 =	sand.u32 @!p1 $0x1000, s14  }
0x28: {  	[tilespmem:s14], [sflag:$0x2] =	stream.linear.gather @!p1 [hbm4b:s15+s16], $0x1000, $0x38;
	[tilespmem:$0x4000] =	vst v63  }
0x29: {  	p1 =	sge.u32 s31, s8  }
.Ltmp2:
0x2a: {  	_ = 	snop;
	(pc) =	sbr.rel @p1 .LBB2_5-.Ltmp2, $1  }
0x2b: {  	_ =	sdelay $0x3  }
0x2c: {  	s14 =	simm.s32 $0x1  }
0x2d: {  	_ =	swait.ge [sflag:s7], $0x1000;
	s14 =	simm.s32 @!p0 $0x0  }
0x2e: {  	[sflag:s7] =	ssyncset.done $0x0;
	s14 =	sshll.u32 s14, $0xC  }
0x2f: {  	[sflag:s7] =	ssyncadd.s32 $0xFFFFF000;
	(ifvalue) =	ssetifvalue $0x7FFFFFFF;
	v0 =	vld.msk [tilespmem:s14+$0x0 ss:$0x1], $0xffff;
	_ =	sdelay $0x4  }
0x30: {  	s15 =	sadd.s32 $0x10, s14;
	v2 =	vshrl.u32 v0, $0xE;
	v3 =	vshll.u32 v0, $0x7  }
0x31: {  	v1 =	vld.msk [tilespmem:s15+$0x0 ss:$0x1], $0xffff;
	vm1 =	veq.s32 v0, $0x80000000;
	v0 =	vand.u32 $0xF, v2;
	v2 =	vand.u32 $0x1FFF80, v3  }
0x32: {  	v0 =	vsel vm1, $0xFFFFFFFF, v0;
	v2 =	vsel vm1, $0xFFFFFF80, v2  }
0x33: {  	v3 =	vand.u32 $0xFFFFFC00, v2;
	v4 =	vand.u32 $0xFFFFFC00, v0  }
0x34: {  	v2 =	vand.u32 $0x380, v2;
	v3 =	vadd.s32 v4, v3  }
0x35: {  	v0 =	vand.u32 $0x7F, v0;
	v2 =	vor.u32 v2, v3  }
0x36: {  	v5 =	vshll.u32 v1, $0x7;
	v4 =	vshrl.u32 v1, $0xE;
	v0 =	vor.u32 v0, v2  }
0x37: {  	s16 =	sshll.u32 s12, $0xC;
	vm1 =	veq.s32 v1, $0x80000000;
	v1 =	vand.u32 $0xF, v4;
	v4 =	vand.u32 $0x1FFF80, v5  }
0x38: {  	s16 =	sand.u32 $0x1000, s16;
	s18 =	sadd.s32 $0x10, s15;
	v3 =	vsel vm1, $0xFFFFFFFF, v1;
	v4 =	vsel vm1, $0xFFFFFF80, v4  }
0x39: {  	s17 =	simm.s32 $0x20;
	s15 =	sor.u32 $0x2000, s14;
	s14 =	sor.u32 $0x2000, s16;
	v1 =	vld.msk [tilespmem:s18+$0x0 ss:$0x1], $0xffff;
	v5 =	vand.u32 $0xFFFFFC00, v4;
	v6 =	vand.u32 $0xFFFFFC00, v3  }
0x3a: {  	s16 =	sadd.s32 $0x10, s15;
	s18 =	sadd.s32 $0x10, s18;
	(ifvalue) =	ssetifvalue $0x7FFFFFFF;
	v2 =	vand.u32 $0x7F, v3;
	v4 =	vand.u32 $0x380, v4;
	v3 =	vadd.s32 v6, v5  }
.LBB2_3:
0x3b: {  	[tilespmem:s15], [sflag:$0x1] =	stream.indirect_vreg.gather [hbm4b:s2+s10], $0x1, v0, vm0, $0x4038;
	[tilespmem:$0x4000] =	vst v63  }
0x3c: {  	s17 =	sadd.s32 $0x10, s17  }
0x3d: {  	v3 =	vor.u32 v4, v3;
	p1 =	slt.u32 s17, $0xFF0  }
.Ltmp3:
0x3e: {  	v4 =	vshrl.u32 v1, $0xE;
	v5 =	vshll.u32 v1, $0x7;
	s15 =	smov.u32 s16;
	v0 =	vor.u32 v2, v3;
	v2 =	vmovc v1;
	v1 =	vld.msk [tilespmem:s18+$0x0 ss:$0x1], $0xffff;
	(pc) =	sbr.rel @p1 .LBB2_3-.Ltmp3, $4  }
0x3f: {  	v3 =	vand.u32 $0x1FFF80, v5;
	vm1 =	veq.s32 v2, $0x80000000;
	v2 =	vand.u32 $0xF, v4  }
0x40: {  	v4 =	vsel vm1, $0xFFFFFFFF, v2;
	v5 =	vsel vm1, $0xFFFFFF80, v3  }
0x41: {  	v2 =	vand.u32 $0x7F, v4;
	v3 =	vand.u32 $0xFFFFFC00, v5;
	v4 =	vand.u32 $0xFFFFFC00, v4  }
0x42: {  	s16 =	sadd.s32 $0x10, s16;
	s18 =	sadd.s32 $0x10, s18;
	v3 =	vadd.s32 v4, v3;
	v4 =	vand.u32 $0x380, v5;
	(ifvalue) =	ssetifvalue $0x7FFFFFFF  }
.Ltmp4:
0x43: {  	_ = 	snop;
	(pc) =	sbr.rel .LBB2_4-.Ltmp4, $1  }
0x44: {  	_ =	sdelay $0x3  }
.LBB2_6:
0x45: {  	_ =	sfence.sel $0x180000  }
0x46: {  	s2 =	simm.s32 $0x2;
	[bflag:$0x0] =	sbarrier.arrive $0xFFFF  }
0x47: {  	s30 =	simm.s32 $0x3;
	[sflag:s2] =	ssyncpa.u1 $0x1  }
0x48: {  	s31 =	simm.s32 $0x1;
	[sflag:s30] =	ssyncpa.u1 $0x1  }
0x49: {  	[sflag:s31] =	ssyncpa.u1 $0x1  }
0x4a: {  	p0 =	sne.s32 s0, $0x0;
	_ =	strace $0x90000050  }
0x4b: {  	s0 =	sadd.s32 @!p0 $0x100000, s1;
	[bflag:$0x2] =	sbarrier.arrive $0xFFFF  }
0x4c: {  	[sflag:s0] =	ssyncadd.tile.s32 @!p0 $0x1;
	_ =	shalt  }
.Lfunc_end2:
_tile_overlayer_lowered:
.L_overlay_start_2:
0x4d: {  	(tag) =	ssettag $0x2  }
0x4e: {  	s0 =	rddreg [dreg:$0x0];
	s2 =	stileid.u32  }
0x4f: {  	s1 =	rddreg [dreg:$0x1];
	p0 =	sne.s32 s2, $0x0  }
0x50: {  	s3 =	rddreg [dreg:$0x2];
	[bflag:$0x3] =	sbarrier.arrive $0xFFFF;
	s2 =	simm.s32 @!p0 $0x1C01  }
0x51: {  	[timem:s3], [sflag:s2] =	dma.local @!p0 [hbm:s0], s1  }
0x52: {  	s0 =	simm.s32 @!p0 $0x1  }
0x53: {  	_ =	swait.ge @!p0 [sflag:s0], s1  }
0x54: {  	s1 =	ssub.s32 @!p0 $0x0, s1;
	[sflag:s0] =	ssyncset.done @!p0 $0x0  }
0x55: {  	[sflag:s0] =	ssyncadd.s32 @!p0 s1  }
0x56: {  	[bflag:$0x3] =	sbarrier.arrive $0xFFFF  }
0x57: {  	_ =	shalt  }

// kernel: gather_offload_async_start.3
scs
__scs_entry_jumppad:
0x0: {  	(pc) =	sbr.rel $0x88, $3  }
0x1: {  	(tag) =	ssettag $0x0;
	lr =	simm.s32 $0x1  }
0x2: {  	[smem:$0x3F9D] =	sst lr;
	_ =	strace $0xD0000000  }
0x3: {  	_ = 	snop  }
0x4: {  	_ = 	snop  }
0x5: {  	_ = 	snop  }
0x6: {  	_ = 	snop  }
0x7: {  	_ = 	snop  }
__scs_overlays_trampoline_lowered:
0x8: {  	[smem:$0x3FAC] =	sst s0  }
0x9: {  	[smem:$0x3FAD] =	sst s1  }
0xa: {  	[smem:$0x3FAE] =	sst s2  }
0xb: {  	[smem:$0x3FAF] =	sst s3  }
0xc: {  	[smem:$0x3FB0] =	sst s4  }
0xd: {  	[smem:$0x3FB1] =	sst s5  }
0xe: {  	[smem:$0x3FB2] =	sst s6  }
0xf: {  	[smem:$0x3FB3] =	sst s7  }
0x10: {  	[smem:$0x3FB4] =	sst s8  }
0x11: {  	[smem:$0x3FB5] =	sst s9;
	s0 =	simm.s32 @!p0 $0x0  }
0x12: {  	s1 =	sld [smem:$0x3F9B];
	s0 =	simm.s32 @p0 $0x1  }
0x13: {  	[smem:$0x3FB6] =	sst s0;
	s0 =	simm.s32 @!p1 $0x0  }
0x14: {  	s2 =	sld [smem:$0x3F9A];
	s0 =	simm.s32 @p1 $0x1  }
0x15: {  	[smem:$0x3FB7] =	sst s0;
	s0 =	simm.s32 @!p2 $0x0  }
0x16: {  	s3 =	sld [smem:$0x3FDB];
	s0 =	simm.s32 @p2 $0x1  }
0x17: {  	s4 =	simm.s32 $0x1BF5;
	[smem:$0x3FB9] =	sst s0  }
0x18: {  	s0 =	sld [smem:$0x3F9C];
	_ =	swait.ge [sflag:s4], $0x0  }
0x19: {  	s7 =	sld [smem:$0x3F9D]  }
0x1a: {  	s8 =	sadd.s32 $0xFFFFE003, lr  }
0x1b: {  	s9 =	sadd.s32 $0xFFFFFEF7, lr;
	s5 =	simm.s32 $0xFFFFFFFF;
	p2 =	slt.u32 s8, $0xFFFFF086  }
0x1c: {  	p1 =	slt.u32 s9, $0xF7A;
	s5 =	simm.s32 @!p2 $0x0  }
0x1d: {  	s5 =	simm.s32 @p1 $0x1;
	p0 =	seq.s32 s7, s2  }
0x1e: {  	s7 =	smul.u32 @!p0 $0xF7A, s2;
	p2 =	seq.s32 @!p0 s5, $0x0  }
0x1f: {  	s9 =	smul.u32 $0xF7A, s1;
	s8 =	simm.s32 @!p0 $0x1BF5;
	p2 =	por !p2, p0  }
0x20: {  	[sflag:s8] =	ssyncset.s32 @!p0 $0xFFFFF086;
	s6 =	sadd.s32 @!p0 s3, s7;
	s7 =	simm.s32 @!p0 $0x108  }
0x21: {  	s3 =	sadd.s32 s3, s9;
	s6 =	sadd.s32 @!p0 $0x88, s6;
	s7 =	simm.s32 @p2 $0x1082  }
0x22: {  	[simem:s7], [sflag:s8] =	dma.local @!p0 [hbm:s6], $0xF7A  }
0x23: {  	s9 =	sor.u32 $0xD0000000, s2;
	s6 =	simm.s32 $0x108;
	_ =	swait.ge @!p0 [sflag:s8], $0x0  }
0x24: {  	s3 =	sadd.s32 $0x88, s3;
	s6 =	simm.s32 @!p1 $0x1082;
	[sflag:s4] =	ssyncset.s32 $0xFFFFF086  }
0x25: {  	[simem:s6], [sflag:s4] =	dma.local [hbm:s3], $0xF7A  }
0x26: {  	[smem:$0x3F9D] =	sst s1;
	(tag) =	ssettag s2;
	_ =	strace s9  }
0x27: {  	s1 =	sld [smem:$0x3FAD]  }
0x28: {  	s2 =	sld [smem:$0x3FAE]  }
0x29: {  	s4 =	sld [smem:$0x3FB0]  }
0x2a: {  	p0 =	seq.s32 s5, $0x0;
	s5 =	sld [smem:$0x3FB1]  }
0x2b: {  	s6 =	sld [smem:$0x3FB2]  }
0x2c: {  	s7 =	sld [smem:$0x3FB3]  }
0x2d: {  	s3 =	simm.s32 $0x108;
	s8 =	sld [smem:$0x3FB4]  }
0x2e: {  	s3 =	simm.s32 @!p0 $0x1082;
	s9 =	sld [smem:$0x3FB5]  }
0x2f: {  	lr =	sadd.s32 s0, s3;
	s0 =	sld [smem:$0x3FAC]  }
0x30: {  	s3 =	sld [smem:$0x3FAF]  }
0x31: {  	[smem:$0x3FB8] =	sst s10  }
0x32: {  	s10 =	sld [smem:$0x3FB6];
	_ =	sdelay $0x3  }
0x33: {  	p0 =	seq.s32 s10, $0x1;
	s10 =	sld [smem:$0x3FB8];
	_ =	sdelay $0x3  }
0x34: {  	[smem:$0x3FB8] =	sst s10  }
0x35: {  	s10 =	sld [smem:$0x3FB7];
	_ =	sdelay $0x3  }
0x36: {  	p1 =	seq.s32 s10, $0x1;
	s10 =	sld [smem:$0x3FB8];
	_ =	sdelay $0x3  }
0x37: {  	[smem:$0x3FB8] =	sst s10  }
0x38: {  	s10 =	sld [smem:$0x3FB9]  }
0x39: {  	_ = 	snop;
	(pc) =	sbr.ind lr, $3  }
0x3a: {  	_ = 	snop  }
0x3b: {  	_ = 	snop  }
0x3c: {  	p2 =	seq.s32 s10, $0x1;
	s10 =	sld [smem:$0x3FB8]  }
0x3d: {  	_ =	shalt  }
0x3e: {  	_ =	shalt  }
0x3f: {  	_ =	shalt  }
0x40: {  	_ =	shalt  }
0x41: {  	_ =	shalt  }
0x42: {  	_ =	shalt  }
0x43: {  	_ =	shalt  }
0x44: {  	_ =	shalt  }
0x45: {  	_ =	shalt  }
0x46: {  	_ =	shalt  }
0x47: {  	_ =	shalt  }
0x48: {  	_ =	shalt  }
0x49: {  	_ =	shalt  }
0x4a: {  	_ =	shalt  }
0x4b: {  	_ =	shalt  }
0x4c: {  	_ =	shalt  }
0x4d: {  	_ =	shalt  }
0x4e: {  	_ =	shalt  }
0x4f: {  	_ =	shalt  }
0x50: {  	_ =	shalt  }
0x51: {  	_ =	shalt  }
0x52: {  	_ =	shalt  }
0x53: {  	_ =	shalt  }
0x54: {  	_ =	shalt  }
0x55: {  	_ =	shalt  }
0x56: {  	_ =	shalt  }
0x57: {  	_ =	shalt  }
0x58: {  	_ =	shalt  }
0x59: {  	_ =	shalt  }
0x5a: {  	_ =	shalt  }
0x5b: {  	_ =	shalt  }
0x5c: {  	_ =	shalt  }
0x5d: {  	_ =	shalt  }
0x5e: {  	_ =	shalt  }
0x5f: {  	_ =	shalt  }
0x60: {  	_ =	shalt  }
0x61: {  	_ =	shalt  }
0x62: {  	_ =	shalt  }
0x63: {  	_ =	shalt  }
0x64: {  	_ =	shalt  }
0x65: {  	_ =	shalt  }
0x66: {  	_ =	shalt  }
0x67: {  	_ =	shalt  }
0x68: {  	_ =	shalt  }
0x69: {  	_ =	shalt  }
0x6a: {  	_ =	shalt  }
0x6b: {  	_ =	shalt  }
0x6c: {  	_ =	shalt  }
0x6d: {  	_ =	shalt  }
0x6e: {  	_ =	shalt  }
0x6f: {  	_ =	shalt  }
0x70: {  	_ =	shalt  }
0x71: {  	_ =	shalt  }
0x72: {  	_ =	shalt  }
0x73: {  	_ =	shalt  }
0x74: {  	_ =	shalt  }
0x75: {  	_ =	shalt  }
0x76: {  	_ =	shalt  }
0x77: {  	_ =	shalt  }
0x78: {  	_ =	shalt  }
0x79: {  	_ =	shalt  }
0x7a: {  	_ =	shalt  }
0x7b: {  	_ =	shalt  }
0x7c: {  	_ =	shalt  }
0x7d: {  	_ =	shalt  }
0x7e: {  	_ =	shalt  }
0x7f: {  	_ =	shalt  }
0x80: {  	_ =	shalt  }
0x81: {  	_ =	shalt  }
0x82: {  	_ =	shalt  }
0x83: {  	_ =	shalt  }
0x84: {  	_ =	shalt  }
0x85: {  	_ =	shalt  }
0x86: {  	_ =	shalt  }
0x87: {  	_ =	shalt  }
.Lfunc_end0:
.L_simem_size_0:
called_computation.3_lowered:
.L_overlay_start_0:
0x88: {  	s2 =	sld [smem:$0x3FD9]  }
0x89: {  	s3 =	sld [smem:$0x3FFE];
	_ =	sdelay $0x1  }
0x8a: {  	s1 =	srdreg.scid  }
0x8b: {  	s0 =	sand.u32 $0x1, s1  }
0x8c: {  	s14 =	sshll.u32 s0, $0xA;
	s2 =	sadd.s32 s3, s2  }
0x8d: {  	s2 =	sadd.s32 s2, s14  }
0x8e: {  	[smem:$0x3FC4] =	sst s2  }
0x8f: {  	_ = 	snop  }
0x90: {  	s2 =	sld [smem:$0x3FD0];
	_ =	sdelay $0x2  }
0x91: {  	s15 =	simm.s32 $0xA;
	s4 =	simm.s32 $0x10  }
0x92: {  	[smem:s4], [sflag:s15] =	dma.local [hbm:s2], $0x1  }
0x93: {  	_ =	swait.eq [sflag:s15], $0x1  }
0x94: {  	[sflag:s15] =	ssyncset.done $0x0  }
0x95: {  	s16 =	sld [smem:$0x11];
	[sflag:s15] =	ssyncadd.s32 $0xFFFFFFFF  }
0x96: {  	s17 =	sld [smem:$0x13];
	(tm) =	ssettm $0x1  }
0x97: {  	s18 =	sld [smem:$0x3FFB];
	_ =	sdelay $0x3  }
0x98: {  	_ =	strace s18  }
0x99: {  	s4 =	sld [smem:$0x3FFC];
	_ =	sdelay $0x3  }
0x9a: {  	_ =	strace s4  }
0x9b: {  	s4 =	sld [smem:$0x3FFD];
	_ =	sdelay $0x3  }
0x9c: {  	_ =	strace s4  }
0x9d: {  	_ =	strace $0x8FFFFFFF  }
0x9e: {  	s19 =	sld [smem:$0x3FDB];
	_ =	sdelay $0x1  }
0x9f: {  	s5 =	simm.s32 $_scs_section_size  }
0xa0: {  	s6 =	simm.s32 $_size__tile_overlayer_lowered;
	s7 =	simm.s32 $_tile_overlayer_lowered  }
0xa1: {  	s22 =	simm.s32 $0x1BFF;
	s21 =	sshll.u32 s7, $0x1;
	s4 =	sadd.s32 s5, s19  }
0xa2: {  	s8 =	simm.s32 $0x0;
	s20 =	sshll.u32 s6, $0x1;
	s6 =	sadd.s32 s21, s4  }
0xa3: {  	[timem:s8], [sflag:s22] =	dma.local [hbm:s6], s20  }
0xa4: {  	_ =	swait.ge [sflag:s22], s20  }
0xa5: {  	s5 =	ssub.s32 $0x0, s20;
	[sflag:s22] =	ssyncset.done $0x0  }
0xa6: {  	[sflag:s22] =	ssyncadd.s32 s5;
	_ =	sdelay $0x1  }
0xa7: {  	s23 =	simm.s32 $0x1B8B  }
0xa8: {  	_ =	swait.ge [sflag:s23], $0x1  }
0xa9: {  	[sflag:s23] =	ssyncset.done $0x0  }
0xaa: {  	s25 =	simm.s32 $0x1B8E;
	s24 =	sld [smem:$0x3FFE];
	[sflag:s23] =	ssyncadd.s32 $0xFFFFFFFF  }
0xab: {  	s26 =	simm.s32 $execute0_lowered;
	[smem:$0x3FD2] =	sst s25  }
0xac: {  	s6 =	sshll.u32 s26, $0x1;
	_ =	strace $0x8000004C;
	[dreg:$0x1] =	wrdreg $0xFFFFFFFF  }
0xad: {  	s28 =	simm.s32 $_size_execute0_lowered;
	s4 =	sadd.s32 s4, s6;
	[dreg:$0x0] =	wrdreg $0x0  }
0xae: {  	s6 =	sshll.u32 s28, $0x1;
	[dreg:$0x2] =	wrdreg s4  }
0xaf: {  	[dreg:$0x3] =	wrdreg s6  }
0xb0: {  	[dreg:$0x4] =	wrdreg $0xC0  }
0xb1: {  	_ =	task [dreg:s8], $0x5FFFF  }
0xb2: {  	[dreg:$0x1] =	wrdreg $0xFFFFFFFF  }
0xb3: {  	[dreg:$0x0] =	wrdreg $0x60  }
0xb4: {  	[dreg:$0x2] =	wrdreg s24  }
0xb5: {  	[dreg:$0x3] =	wrdreg s17  }
0xb6: {  	[dreg:$0x4] =	wrdreg s16  }
0xb7: {  	[dreg:$0x5] =	wrdreg $0x9  }
0xb8: {  	_ =	task.clear_ibuf [dreg:s8], $0x6FFFF;
	_ =	strace $0x9000004C  }
0xb9: {  	s29 =	simm.s32 $0x9;
	_ =	strace $0x8000004E  }
0xba: {  	_ =	swait.ge [sflag:s29], $0x1  }
0xbb: {  	[sflag:s29] =	ssyncadd.s32 $0xFFFFFFFF  }
0xbc: {  	_ =	strace $0x9000004E  }
0xbd: {  	_ =	sfence  }
0xbe: {  	s30 =	sld [smem:$0x0];
	_ =	sdelay $0x2  }
0xbf: {  	s31 =	sshll.u32 s1, $0xD;
	s1 =	sshrl.u32 s1, $0x2  }
0xc0: {  	s3 =	sand.u32 $0x4000, s31;
	s1 =	sadd.s32 s1, s30  }
0xc1: {  	s0 =	sor.u32 s3, s0;
	s1 =	sshll.u32 s1, $0x11  }
0xc2: {  	s0 =	sor.u32 s1, s0  }
0xc3: {  	s0 =	sadd.s32 $0x8F2B, s0  }
0xc4: {  	[sflag:s0] =	ssyncadd.remote.s32 $0x1  }
0xc5: {  	_ =	sfence.sel $0xFFFF  }
0xc6: {  	[dreg:$0x0] =	wrdreg $0xFFFFFFFF;
	(pc) =	sbr.abs _section_cstart, $3  }
0xc7: {  	[dreg:$0x1] =	wrdreg $0xFFFFFFFF  }
0xc8: {  	_ =	task.clear_ibuf [dreg:s8], $0x2FFFF;
	_ =	strace $0x9FFFFFFF  }
0xc9: {  	(tm) =	ssettm $0x7FFFFFFF  }
tec
execute0_lowered:
.L_overlay_start_1:
0x0: {  	(tag) =	ssettag $0x1  }
0x1: {  	s5 =	rddreg [dreg:$0x0]  }
0x2: {  	s1 =	srdreg.scid;
	s2 =	rddreg [dreg:$0x1]  }
0x3: {  	s0 =	stileid.u32;
	s3 =	rddreg [dreg:$0x2]  }
0x4: {  	s9 =	simm.s32 $0x1;
	s10 =	simm.s32 $0x3;
	s1 =	sshll.u32 s1, $0xC  }
0x5: {  	s13 =	simm.s32 $0x0;
	s4 =	sshll.u32 s0, $0xD;
	s6 =	sand.u32 $0x1000, s1  }
0x6: {  	s12 =	simm.s32 $0x0;
	s5 =	sadd.s32 $0x50000, s5;
	s4 =	sor.u32 s4, s6  }
0x7: {  	s1 =	rddreg [dreg:$0x3];
	_ =	strace $0x8000004D;
	s8 =	ssub.s32 $0x40000, s4  }
.Ltmp0:
0x8: {  	s6 =	simm.s32 $0x1;
	s7 =	sand.u32 $0x1F000, s8;
	(pc) =	sbr.rel .LBB2_1-.Ltmp0, $4  }
0x9: {  	[sflag:s6] =	ssyncpa.u1 $0x0;
	s11 =	smov.u32 s4;
	p0 =	sne.s32 s7, $0x0  }
0xa: {  	s8 =	sshrl.u32 s8, $0x11;
	s7 =	simm.s32 $0x2;
	s9 =	simm.s32 @!p0 $0x0  }
0xb: {  	[sflag:s7] =	ssyncpa.u1 $0x0;
	p0 =	por $0x0, $0x0;
	s8 =	sadd.s32 s9, s8  }
0xc: {  	vm0 =	vmmov $0xffff;
	[sflag:s10] =	ssyncpa.u1 $0x0;
	s10 =	simm.s32 $0x0;
	s9 =	sadd.s32 $0x1, s8  }
.LBB2_4:
0xd: {  	v5 =	vshrl.u32 v1, $0xE;
	v6 =	vshll.u32 v1, $0x7  }
0xe: {  	vm1 =	veq.s32 v1, $0x80000000;
	v58 =	vand.u32 $0xF, v5;
	v59 =	vand.u32 $0x1FFF80, v6  }
0xf: {  	v1 =	vsel vm1, $0xFFFFFFFF, v58;
	v5 =	vsel vm1, $0xFFFFFF80, v59  }
0x10: {  	v3 =	vor.u32 v4, v3;
	v60 =	vand.u32 $0xFFFFFC00, v5;
	v61 =	vand.u32 $0xFFFFFC00, v1  }
0x11: {  	v2 =	vor.u32 v2, v3;
	v63 =	vand.u32 $0x380, v5;
	v62 =	vadd.s32 v61, v60  }
0x12: {  	v1 =	vand.u32 $0x7F, v1;
	v3 =	vor.u32 v63, v62  }
0x13: {  	v1 =	vor.u32 v1, v3  }
0x14: {  	[tilespmem:s15], [sflag:$0x1] =	stream.indirect_vreg.gather [hbm4b:s5+s10], $0x1, v0, vm0, $0x4038;
	[tilespmem:$0x4000] =	vst v63  }
0x15: {  	(ifvalue) =	ssetifvalue $0x7FFFFFFF  }
0x16: {  	[tilespmem:s16], [sflag:$0x1] =	stream.indirect_vreg.gather [hbm4b:s5+s10], $0x1, v2, vm0, $0x4038;
	[tilespmem:$0x4000] =	vst v63  }
0x17: {  	s29 =	sadd.s32 $0x10, s16;
	(ifvalue) =	ssetifvalue $0x7FFFFFFF  }
0x18: {  	[tilespmem:s29], [sflag:$0x1] =	stream.indirect_vreg.gather [hbm4b:s5+s10], $0x1, v1, vm0, $0x4038;
	[tilespmem:$0x4000] =	vst v63  }
0x19: {  	_ =	swait.ge [sflag:s6], $0x1000  }
0x1a: {  	s30 =	sshrl.u32 s13, $0x3;
	[sflag:s6] =	ssyncset.done $0x0  }
0x1b: {  	s31 =	sand.u32 $0x7, s13;
	s15 =	sadd.s32 s3, s30;
	[sflag:s6] =	ssyncadd.s32 $0xFFFFF000  }
0x1c: {  	[hbm4b:s15+s31] =	stream.linear.scatter [tilespmem:s14], [sflag:$0x3], $0x1000, $0x38;
	[tilespmem:$0x4000] =	vst v63  }
.LBB2_5:
0x1d: {  	s15 =	sadd.s32 $0x20000, s11  }
0x1e: {  	p2 =	sgt.s32 s15, $0x3FFFF  }
0x1f: {  	s15 =	smov.u32 @p2 s4;
	p2 =	sne.s32 s12, s9  }
.Ltmp1:
0x20: {  	p1 =	slt.u32 s12, $0x2;
	(pc) =	sbr.rel @!p2 .LBB2_6-.Ltmp1, $4  }
0x21: {  	s14 =	simm.s32 @!p1 $0x3  }
0x22: {  	s16 =	sadd.s32 $0x1, s12;
	_ =	swait.ge @!p1 [sflag:s14], $0x1000  }
0x23: {  	s13 =	smov.u32 s11;
	p0 =	por !p0, !p0;
	[sflag:s14] =	ssyncset.done @!p1 $0x0  }
0x24: {  	s12 =	smov.u32 s16;
	s11 =	smov.u32 s15;
	[sflag:s14] =	ssyncadd.s32 @!p1 $0xFFFFF000  }
.LBB2_1:
0x25: {  	p1 =	sge.u32 s12, s8  }
0x26: {  	s14 =	sxor.u32 @!p1 $0xFFFFFFFF, s12  }
0x27: {  	s31 =	sadd.s32 $0xFFFFFFFF, s12;
	s15 =	sshrl.u32 @!p1 s11, $0x3;
	s14 =	sshll.u32 @!p1 s14, $0xC  }
0x28: {  	s16 =	sand.u32 @!p1 $0x7, s11;
	s15 =	sadd.s32 @!p1 s2, s15;
	s14 =	sand.u32 @!p1 $0x1000, s14  }
0x29: {  	[tilespmem:s14], [sflag:$0x2] =	stream.linear.gather @!p1 [hbm4b:s15+s16], $0x1000, $0x38;
	[tilespmem:$0x4000] =	vst v63  }
0x2a: {  	p1 =	sge.u32 s31, s8  }
.Ltmp2:
0x2b: {  	_ = 	snop;
	(pc) =	sbr.rel @p1 .LBB2_5-.Ltmp2, $1  }
0x2c: {  	_ =	sdelay $0x3  }
0x2d: {  	s14 =	simm.s32 $0x1  }
0x2e: {  	_ =	swait.ge [sflag:s7], $0x1000;
	s14 =	simm.s32 @!p0 $0x0  }
0x2f: {  	[sflag:s7] =	ssyncset.done $0x0;
	s14 =	sshll.u32 s14, $0xC  }
0x30: {  	[sflag:s7] =	ssyncadd.s32 $0xFFFFF000;
	(ifvalue) =	ssetifvalue $0x7FFFFFFF;
	v0 =	vld.msk [tilespmem:s14+$0x0 ss:$0x1], $0xffff;
	_ =	sdelay $0x4  }
0x31: {  	s15 =	sadd.s32 $0x10, s14;
	v2 =	vshrl.u32 v0, $0xE;
	v3 =	vshll.u32 v0, $0x7  }
0x32: {  	v1 =	vld.msk [tilespmem:s15+$0x0 ss:$0x1], $0xffff;
	vm1 =	veq.s32 v0, $0x80000000;
	v0 =	vand.u32 $0xF, v2;
	v2 =	vand.u32 $0x1FFF80, v3  }
0x33: {  	v0 =	vsel vm1, $0xFFFFFFFF, v0;
	v2 =	vsel vm1, $0xFFFFFF80, v2  }
0x34: {  	v3 =	vand.u32 $0xFFFFFC00, v2;
	v4 =	vand.u32 $0xFFFFFC00, v0  }
0x35: {  	v2 =	vand.u32 $0x380, v2;
	v3 =	vadd.s32 v4, v3  }
0x36: {  	v0 =	vand.u32 $0x7F, v0;
	v2 =	vor.u32 v2, v3  }
0x37: {  	v5 =	vshll.u32 v1, $0x7;
	v4 =	vshrl.u32 v1, $0xE;
	v0 =	vor.u32 v0, v2  }
0x38: {  	s16 =	sshll.u32 s12, $0xC;
	vm1 =	veq.s32 v1, $0x80000000;
	v1 =	vand.u32 $0xF, v4;
	v4 =	vand.u32 $0x1FFF80, v5  }
0x39: {  	s16 =	sand.u32 $0x1000, s16;
	s18 =	sadd.s32 $0x10, s15;
	v3 =	vsel vm1, $0xFFFFFFFF, v1;
	v4 =	vsel vm1, $0xFFFFFF80, v4  }
0x3a: {  	s17 =	simm.s32 $0x20;
	s15 =	sor.u32 $0x2000, s14;
	s14 =	sor.u32 $0x2000, s16;
	v1 =	vld.msk [tilespmem:s18+$0x0 ss:$0x1], $0xffff;
	v5 =	vand.u32 $0xFFFFFC00, v4;
	v6 =	vand.u32 $0xFFFFFC00, v3  }
0x3b: {  	s16 =	sadd.s32 $0x10, s15;
	s18 =	sadd.s32 $0x10, s18;
	(ifvalue) =	ssetifvalue $0x7FFFFFFF;
	v2 =	vand.u32 $0x7F, v3;
	v4 =	vand.u32 $0x380, v4;
	v3 =	vadd.s32 v6, v5  }
.LBB2_3:
0x3c: {  	[tilespmem:s15], [sflag:$0x1] =	stream.indirect_vreg.gather [hbm4b:s5+s10], $0x1, v0, vm0, $0x4038;
	[tilespmem:$0x4000] =	vst v63  }
0x3d: {  	s17 =	sadd.s32 $0x10, s17  }
0x3e: {  	v3 =	vor.u32 v4, v3;
	p1 =	slt.u32 s17, $0xFF0  }
.Ltmp3:
0x3f: {  	v4 =	vshrl.u32 v1, $0xE;
	v5 =	vshll.u32 v1, $0x7;
	s15 =	smov.u32 s16;
	v0 =	vor.u32 v2, v3;
	v2 =	vmovc v1;
	v1 =	vld.msk [tilespmem:s18+$0x0 ss:$0x1], $0xffff;
	(pc) =	sbr.rel @p1 .LBB2_3-.Ltmp3, $4  }
0x40: {  	v3 =	vand.u32 $0x1FFF80, v5;
	vm1 =	veq.s32 v2, $0x80000000;
	v2 =	vand.u32 $0xF, v4  }
0x41: {  	v4 =	vsel vm1, $0xFFFFFFFF, v2;
	v5 =	vsel vm1, $0xFFFFFF80, v3  }
0x42: {  	v2 =	vand.u32 $0x7F, v4;
	v3 =	vand.u32 $0xFFFFFC00, v5;
	v4 =	vand.u32 $0xFFFFFC00, v4  }
0x43: {  	s16 =	sadd.s32 $0x10, s16;
	s18 =	sadd.s32 $0x10, s18;
	v3 =	vadd.s32 v4, v3;
	v4 =	vand.u32 $0x380, v5;
	(ifvalue) =	ssetifvalue $0x7FFFFFFF  }
.Ltmp4:
0x44: {  	_ = 	snop;
	(pc) =	sbr.rel .LBB2_4-.Ltmp4, $1  }
0x45: {  	_ =	sdelay $0x3  }
.LBB2_6:
0x46: {  	_ =	sfence.sel $0x180000  }
0x47: {  	s2 =	simm.s32 $0x2;
	[bflag:$0x0] =	sbarrier.arrive $0xFFFF  }
0x48: {  	s30 =	simm.s32 $0x3;
	[sflag:s2] =	ssyncpa.u1 $0x1  }
0x49: {  	s31 =	simm.s32 $0x1;
	[sflag:s30] =	ssyncpa.u1 $0x1  }
0x4a: {  	[sflag:s31] =	ssyncpa.u1 $0x1  }
0x4b: {  	p0 =	sne.s32 s0, $0x0;
	_ =	strace $0x9000004D  }
0x4c: {  	s0 =	sadd.s32 @!p0 $0x100000, s1;
	[bflag:$0x2] =	sbarrier.arrive $0xFFFF  }
0x4d: {  	[sflag:s0] =	ssyncadd.tile.s32 @!p0 $0x1;
	_ =	shalt  }
.Lfunc_end2:
_tile_overlayer_lowered:
.L_overlay_start_2:
0x4e: {  	(tag) =	ssettag $0x2  }
0x4f: {  	s0 =	rddreg [dreg:$0x0];
	s2 =	stileid.u32  }
0x50: {  	s1 =	rddreg [dreg:$0x1];
	p0 =	sne.s32 s2, $0x0  }
0x51: {  	s3 =	rddreg [dreg:$0x2];
	[bflag:$0x3] =	sbarrier.arrive $0xFFFF;
	s2 =	simm.s32 @!p0 $0x1C01  }
0x52: {  	[timem:s3], [sflag:s2] =	dma.local @!p0 [hbm:s0], s1  }
0x53: {  	s0 =	simm.s32 @!p0 $0x1  }
0x54: {  	_ =	swait.ge @!p0 [sflag:s0], s1  }
0x55: {  	s1 =	ssub.s32 @!p0 $0x0, s1;
	[sflag:s0] =	ssyncset.done @!p0 $0x0  }
0x56: {  	[sflag:s0] =	ssyncadd.s32 @!p0 s1  }
0x57: {  	[bflag:$0x3] =	sbarrier.arrive $0xFFFF  }
0x58: {  	_ =	shalt  }

// kernel: gather_offload_async_start.4
scs
__scs_entry_jumppad:
0x0: {  	(pc) =	sbr.rel $0x88, $3  }
0x1: {  	(tag) =	ssettag $0x0;
	lr =	simm.s32 $0x1  }
0x2: {  	[smem:$0x3F9D] =	sst lr;
	_ =	strace $0xD0000000  }
0x3: {  	_ = 	snop  }
0x4: {  	_ = 	snop  }
0x5: {  	_ = 	snop  }
0x6: {  	_ = 	snop  }
0x7: {  	_ = 	snop  }
__scs_overlays_trampoline_lowered:
0x8: {  	[smem:$0x3FAC] =	sst s0  }
0x9: {  	[smem:$0x3FAD] =	sst s1  }
0xa: {  	[smem:$0x3FAE] =	sst s2  }
0xb: {  	[smem:$0x3FAF] =	sst s3  }
0xc: {  	[smem:$0x3FB0] =	sst s4  }
0xd: {  	[smem:$0x3FB1] =	sst s5  }
0xe: {  	[smem:$0x3FB2] =	sst s6  }
0xf: {  	[smem:$0x3FB3] =	sst s7  }
0x10: {  	[smem:$0x3FB4] =	sst s8  }
0x11: {  	[smem:$0x3FB5] =	sst s9;
	s0 =	simm.s32 @!p0 $0x0  }
0x12: {  	s1 =	sld [smem:$0x3F9B];
	s0 =	simm.s32 @p0 $0x1  }
0x13: {  	[smem:$0x3FB6] =	sst s0;
	s0 =	simm.s32 @!p1 $0x0  }
0x14: {  	s2 =	sld [smem:$0x3F9A];
	s0 =	simm.s32 @p1 $0x1  }
0x15: {  	[smem:$0x3FB7] =	sst s0;
	s0 =	simm.s32 @!p2 $0x0  }
0x16: {  	s3 =	sld [smem:$0x3FDB];
	s0 =	simm.s32 @p2 $0x1  }
0x17: {  	s4 =	simm.s32 $0x1BF5;
	[smem:$0x3FB9] =	sst s0  }
0x18: {  	s0 =	sld [smem:$0x3F9C];
	_ =	swait.ge [sflag:s4], $0x0  }
0x19: {  	s7 =	sld [smem:$0x3F9D]  }
0x1a: {  	s8 =	sadd.s32 $0xFFFFE003, lr  }
0x1b: {  	s9 =	sadd.s32 $0xFFFFFEF7, lr;
	s5 =	simm.s32 $0xFFFFFFFF;
	p2 =	slt.u32 s8, $0xFFFFF086  }
0x1c: {  	p1 =	slt.u32 s9, $0xF7A;
	s5 =	simm.s32 @!p2 $0x0  }
0x1d: {  	s5 =	simm.s32 @p1 $0x1;
	p0 =	seq.s32 s7, s2  }
0x1e: {  	s7 =	smul.u32 @!p0 $0xF7A, s2;
	p2 =	seq.s32 @!p0 s5, $0x0  }
0x1f: {  	s9 =	smul.u32 $0xF7A, s1;
	s8 =	simm.s32 @!p0 $0x1BF5;
	p2 =	por !p2, p0  }
0x20: {  	[sflag:s8] =	ssyncset.s32 @!p0 $0xFFFFF086;
	s6 =	sadd.s32 @!p0 s3, s7;
	s7 =	simm.s32 @!p0 $0x108  }
0x21: {  	s3 =	sadd.s32 s3, s9;
	s6 =	sadd.s32 @!p0 $0x88, s6;
	s7 =	simm.s32 @p2 $0x1082  }
0x22: {  	[simem:s7], [sflag:s8] =	dma.local @!p0 [hbm:s6], $0xF7A  }
0x23: {  	s9 =	sor.u32 $0xD0000000, s2;
	s6 =	simm.s32 $0x108;
	_ =	swait.ge @!p0 [sflag:s8], $0x0  }
0x24: {  	s3 =	sadd.s32 $0x88, s3;
	s6 =	simm.s32 @!p1 $0x1082;
	[sflag:s4] =	ssyncset.s32 $0xFFFFF086  }
0x25: {  	[simem:s6], [sflag:s4] =	dma.local [hbm:s3], $0xF7A  }
0x26: {  	[smem:$0x3F9D] =	sst s1;
	(tag) =	ssettag s2;
	_ =	strace s9  }
0x27: {  	s1 =	sld [smem:$0x3FAD]  }
0x28: {  	s2 =	sld [smem:$0x3FAE]  }
0x29: {  	s4 =	sld [smem:$0x3FB0]  }
0x2a: {  	p0 =	seq.s32 s5, $0x0;
	s5 =	sld [smem:$0x3FB1]  }
0x2b: {  	s6 =	sld [smem:$0x3FB2]  }
0x2c: {  	s7 =	sld [smem:$0x3FB3]  }
0x2d: {  	s3 =	simm.s32 $0x108;
	s8 =	sld [smem:$0x3FB4]  }
0x2e: {  	s3 =	simm.s32 @!p0 $0x1082;
	s9 =	sld [smem:$0x3FB5]  }
0x2f: {  	lr =	sadd.s32 s0, s3;
	s0 =	sld [smem:$0x3FAC]  }
0x30: {  	s3 =	sld [smem:$0x3FAF]  }
0x31: {  	[smem:$0x3FB8] =	sst s10  }
0x32: {  	s10 =	sld [smem:$0x3FB6];
	_ =	sdelay $0x3  }
0x33: {  	p0 =	seq.s32 s10, $0x1;
	s10 =	sld [smem:$0x3FB8];
	_ =	sdelay $0x3  }
0x34: {  	[smem:$0x3FB8] =	sst s10  }
0x35: {  	s10 =	sld [smem:$0x3FB7];
	_ =	sdelay $0x3  }
0x36: {  	p1 =	seq.s32 s10, $0x1;
	s10 =	sld [smem:$0x3FB8];
	_ =	sdelay $0x3  }
0x37: {  	[smem:$0x3FB8] =	sst s10  }
0x38: {  	s10 =	sld [smem:$0x3FB9]  }
0x39: {  	_ = 	snop;
	(pc) =	sbr.ind lr, $3  }
0x3a: {  	_ = 	snop  }
0x3b: {  	_ = 	snop  }
0x3c: {  	p2 =	seq.s32 s10, $0x1;
	s10 =	sld [smem:$0x3FB8]  }
0x3d: {  	_ =	shalt  }
0x3e: {  	_ =	shalt  }
0x3f: {  	_ =	shalt  }
0x40: {  	_ =	shalt  }
0x41: {  	_ =	shalt  }
0x42: {  	_ =	shalt  }
0x43: {  	_ =	shalt  }
0x44: {  	_ =	shalt  }
0x45: {  	_ =	shalt  }
0x46: {  	_ =	shalt  }
0x47: {  	_ =	shalt  }
0x48: {  	_ =	shalt  }
0x49: {  	_ =	shalt  }
0x4a: {  	_ =	shalt  }
0x4b: {  	_ =	shalt  }
0x4c: {  	_ =	shalt  }
0x4d: {  	_ =	shalt  }
0x4e: {  	_ =	shalt  }
0x4f: {  	_ =	shalt  }
0x50: {  	_ =	shalt  }
0x51: {  	_ =	shalt  }
0x52: {  	_ =	shalt  }
0x53: {  	_ =	shalt  }
0x54: {  	_ =	shalt  }
0x55: {  	_ =	shalt  }
0x56: {  	_ =	shalt  }
0x57: {  	_ =	shalt  }
0x58: {  	_ =	shalt  }
0x59: {  	_ =	shalt  }
0x5a: {  	_ =	shalt  }
0x5b: {  	_ =	shalt  }
0x5c: {  	_ =	shalt  }
0x5d: {  	_ =	shalt  }
0x5e: {  	_ =	shalt  }
0x5f: {  	_ =	shalt  }
0x60: {  	_ =	shalt  }
0x61: {  	_ =	shalt  }
0x62: {  	_ =	shalt  }
0x63: {  	_ =	shalt  }
0x64: {  	_ =	shalt  }
0x65: {  	_ =	shalt  }
0x66: {  	_ =	shalt  }
0x67: {  	_ =	shalt  }
0x68: {  	_ =	shalt  }
0x69: {  	_ =	shalt  }
0x6a: {  	_ =	shalt  }
0x6b: {  	_ =	shalt  }
0x6c: {  	_ =	shalt  }
0x6d: {  	_ =	shalt  }
0x6e: {  	_ =	shalt  }
0x6f: {  	_ =	shalt  }
0x70: {  	_ =	shalt  }
0x71: {  	_ =	shalt  }
0x72: {  	_ =	shalt  }
0x73: {  	_ =	shalt  }
0x74: {  	_ =	shalt  }
0x75: {  	_ =	shalt  }
0x76: {  	_ =	shalt  }
0x77: {  	_ =	shalt  }
0x78: {  	_ =	shalt  }
0x79: {  	_ =	shalt  }
0x7a: {  	_ =	shalt  }
0x7b: {  	_ =	shalt  }
0x7c: {  	_ =	shalt  }
0x7d: {  	_ =	shalt  }
0x7e: {  	_ =	shalt  }
0x7f: {  	_ =	shalt  }
0x80: {  	_ =	shalt  }
0x81: {  	_ =	shalt  }
0x82: {  	_ =	shalt  }
0x83: {  	_ =	shalt  }
0x84: {  	_ =	shalt  }
0x85: {  	_ =	shalt  }
0x86: {  	_ =	shalt  }
0x87: {  	_ =	shalt  }
.Lfunc_end0:
.L_simem_size_0:
called_computation.4_lowered:
.L_overlay_start_0:
0x88: {  	s2 =	sld [smem:$0x3FD9]  }
0x89: {  	s3 =	sld [smem:$0x3FFE];
	_ =	sdelay $0x1  }
0x8a: {  	s1 =	srdreg.scid  }
0x8b: {  	s0 =	sand.u32 $0x1, s1  }
0x8c: {  	s14 =	sshll.u32 s0, $0xA;
	s2 =	sadd.s32 s3, s2  }
0x8d: {  	s2 =	sadd.s32 s2, s14  }
0x8e: {  	[smem:$0x3FC4] =	sst s2  }
0x8f: {  	_ = 	snop  }
0x90: {  	s2 =	sld [smem:$0x3FD0];
	_ =	sdelay $0x2  }
0x91: {  	s15 =	simm.s32 $0xA;
	s4 =	simm.s32 $0x10  }
0x92: {  	[smem:s4], [sflag:s15] =	dma.local [hbm:s2], $0x1  }
0x93: {  	_ =	swait.eq [sflag:s15], $0x1  }
0x94: {  	[sflag:s15] =	ssyncset.done $0x0  }
0x95: {  	[sflag:s15] =	ssyncadd.s32 $0xFFFFFFFF  }
0x96: {  	s16 =	sld [smem:$0x13];
	(tm) =	ssettm $0x1  }
0x97: {  	s17 =	sld [smem:$0x3FFB];
	_ =	sdelay $0x3  }
0x98: {  	_ =	strace s17  }
0x99: {  	s3 =	sld [smem:$0x3FFC];
	_ =	sdelay $0x3  }
0x9a: {  	_ =	strace s3  }
0x9b: {  	s3 =	sld [smem:$0x3FFD];
	_ =	sdelay $0x3  }
0x9c: {  	_ =	strace s3  }
0x9d: {  	_ =	strace $0x8FFFFFFF  }
0x9e: {  	s18 =	sld [smem:$0x3FDB];
	_ =	sdelay $0x1  }
0x9f: {  	s19 =	simm.s32 $_scs_section_size  }
0xa0: {  	s5 =	simm.s32 $_size__tile_overlayer_lowered;
	s6 =	simm.s32 $_tile_overlayer_lowered  }
0xa1: {  	s22 =	simm.s32 $0x1BFF;
	s21 =	sshll.u32 s6, $0x1;
	s3 =	sadd.s32 s19, s18  }
0xa2: {  	s7 =	simm.s32 $0x0;
	s20 =	sshll.u32 s5, $0x1;
	s5 =	sadd.s32 s21, s3  }
0xa3: {  	[timem:s7], [sflag:s22] =	dma.local [hbm:s5], s20  }
0xa4: {  	_ =	swait.ge [sflag:s22], s20  }
0xa5: {  	s4 =	ssub.s32 $0x0, s20;
	[sflag:s22] =	ssyncset.done $0x0  }
0xa6: {  	[sflag:s22] =	ssyncadd.s32 s4;
	_ =	sdelay $0x1  }
0xa7: {  	s23 =	simm.s32 $0x1B8B  }
0xa8: {  	_ =	swait.ge [sflag:s23], $0x1  }
0xa9: {  	[sflag:s23] =	ssyncset.done $0x0  }
0xaa: {  	s25 =	simm.s32 $0x1B8E;
	s24 =	sld [smem:$0x3FFE];
	[sflag:s23] =	ssyncadd.s32 $0xFFFFFFFF  }
0xab: {  	s26 =	simm.s32 $execute0_lowered;
	[smem:$0x3FD2] =	sst s25  }
0xac: {  	s5 =	sshll.u32 s26, $0x1;
	_ =	strace $0x80000052;
	[dreg:$0x1] =	wrdreg $0xFFFFFFFF  }
0xad: {  	s28 =	simm.s32 $_size_execute0_lowered;
	s3 =	sadd.s32 s3, s5;
	[dreg:$0x0] =	wrdreg $0x0  }
0xae: {  	s5 =	sshll.u32 s28, $0x1;
	[dreg:$0x2] =	wrdreg s3  }
0xaf: {  	[dreg:$0x3] =	wrdreg s5  }
0xb0: {  	[dreg:$0x4] =	wrdreg $0xC0  }
0xb1: {  	_ =	task [dreg:s7], $0x5FFFF  }
0xb2: {  	[dreg:$0x1] =	wrdreg $0xFFFFFFFF  }
0xb3: {  	[dreg:$0x0] =	wrdreg $0x60  }
0xb4: {  	[dreg:$0x2] =	wrdreg s24  }
0xb5: {  	[dreg:$0x3] =	wrdreg s16  }
0xb6: {  	[dreg:$0x4] =	wrdreg $0x9  }
0xb7: {  	_ =	task.clear_ibuf [dreg:s7], $0x5FFFF;
	_ =	strace $0x90000052  }
0xb8: {  	s29 =	simm.s32 $0x9;
	_ =	strace $0x80000054  }
0xb9: {  	_ =	swait.ge [sflag:s29], $0x1  }
0xba: {  	[sflag:s29] =	ssyncadd.s32 $0xFFFFFFFF  }
0xbb: {  	_ =	strace $0x90000054  }
0xbc: {  	_ =	sfence  }
0xbd: {  	s30 =	sld [smem:$0x0];
	_ =	sdelay $0x2  }
0xbe: {  	s31 =	sshll.u32 s1, $0xD;
	s1 =	sshrl.u32 s1, $0x2  }
0xbf: {  	s3 =	sand.u32 $0x4000, s31;
	s1 =	sadd.s32 s1, s30  }
0xc0: {  	s0 =	sor.u32 s3, s0;
	s1 =	sshll.u32 s1, $0x11  }
0xc1: {  	s0 =	sor.u32 s1, s0  }
0xc2: {  	s0 =	sadd.s32 $0x8F2B, s0  }
0xc3: {  	[sflag:s0] =	ssyncadd.remote.s32 $0x1  }
0xc4: {  	_ =	sfence.sel $0xFFFF  }
0xc5: {  	[dreg:$0x0] =	wrdreg $0xFFFFFFFF;
	(pc) =	sbr.abs _section_cstart, $3  }
0xc6: {  	[dreg:$0x1] =	wrdreg $0xFFFFFFFF  }
0xc7: {  	_ =	task.clear_ibuf [dreg:s7], $0x2FFFF;
	_ =	strace $0x9FFFFFFF  }
0xc8: {  	(tm) =	ssettm $0x7FFFFFFF  }
0xc9: {  	_ =	shalt  }
tec
execute0_lowered:
.L_overlay_start_1:
0x0: {  	(tag) =	ssettag $0x1  }
0x1: {  	s1 =	srdreg.scid;
	s5 =	rddreg [dreg:$0x0]  }
0x2: {  	s0 =	stileid.u32;
	s2 =	rddreg [dreg:$0x1];
	s6 =	simm.s32 $0x1  }
0x3: {  	s9 =	simm.s32 $0x1;
	s10 =	simm.s32 $0x3;
	s1 =	sshll.u32 s1, $0xC  }
0x4: {  	s13 =	simm.s32 $0x0;
	s3 =	sshll.u32 s0, $0xD;
	s4 =	sand.u32 $0x1000, s1  }
0x5: {  	s12 =	simm.s32 $0x0;
	s1 =	rddreg [dreg:$0x2];
	s3 =	sor.u32 s3, s4  }
0x6: {  	_ =	strace $0x80000053;
	s4 =	sadd.s32 $0x90000, s5;
	s8 =	ssub.s32 $0x40000, s3  }
.Ltmp0:
0x7: {  	s5 =	sadd.s32 $0x168000, s5;
	s7 =	sand.u32 $0x1F000, s8;
	(pc) =	sbr.rel .LBB2_1-.Ltmp0, $4  }
0x8: {  	[sflag:s6] =	ssyncpa.u1 $0x0;
	s11 =	smov.u32 s3;
	p0 =	sne.s32 s7, $0x0  }
0x9: {  	s8 =	sshrl.u32 s8, $0x11;
	s7 =	simm.s32 $0x2;
	s9 =	simm.s32 @!p0 $0x0  }
0xa: {  	[sflag:s7] =	ssyncpa.u1 $0x0;
	p0 =	por $0x0, $0x0;
	s8 =	sadd.s32 s9, s8  }
0xb: {  	vm0 =	vmmov $0xffff;
	[sflag:s10] =	ssyncpa.u1 $0x0;
	s10 =	simm.s32 $0x0;
	s9 =	sadd.s32 $0x1, s8  }
.LBB2_4:
0xc: {  	v5 =	vshrl.u32 v1, $0xE;
	v6 =	vshll.u32 v1, $0x7  }
0xd: {  	vm1 =	veq.s32 v1, $0x80000000;
	v58 =	vand.u32 $0xF, v5;
	v59 =	vand.u32 $0x1FFF80, v6  }
0xe: {  	v1 =	vsel vm1, $0xFFFFFFFF, v58;
	v5 =	vsel vm1, $0xFFFFFF80, v59  }
0xf: {  	v3 =	vor.u32 v4, v3;
	v60 =	vand.u32 $0xFFFFFC00, v5;
	v61 =	vand.u32 $0xFFFFFC00, v1  }
0x10: {  	v2 =	vor.u32 v2, v3;
	v63 =	vand.u32 $0x380, v5;
	v62 =	vadd.s32 v61, v60  }
0x11: {  	v1 =	vand.u32 $0x7F, v1;
	v3 =	vor.u32 v63, v62  }
0x12: {  	v1 =	vor.u32 v1, v3  }
0x13: {  	[tilespmem:s15], [sflag:$0x1] =	stream.indirect_vreg.gather [hbm4b:s4+s10], $0x1, v0, vm0, $0x4038;
	[tilespmem:$0x4000] =	vst v63  }
0x14: {  	(ifvalue) =	ssetifvalue $0x7FFFFFFF  }
0x15: {  	[tilespmem:s16], [sflag:$0x1] =	stream.indirect_vreg.gather [hbm4b:s4+s10], $0x1, v2, vm0, $0x4038;
	[tilespmem:$0x4000] =	vst v63  }
0x16: {  	s29 =	sadd.s32 $0x10, s16;
	(ifvalue) =	ssetifvalue $0x7FFFFFFF  }
0x17: {  	[tilespmem:s29], [sflag:$0x1] =	stream.indirect_vreg.gather [hbm4b:s4+s10], $0x1, v1, vm0, $0x4038;
	[tilespmem:$0x4000] =	vst v63  }
0x18: {  	_ =	swait.ge [sflag:s6], $0x1000  }
0x19: {  	s30 =	sshrl.u32 s13, $0x3;
	[sflag:s6] =	ssyncset.done $0x0  }
0x1a: {  	s31 =	sand.u32 $0x7, s13;
	s15 =	sadd.s32 s2, s30;
	[sflag:s6] =	ssyncadd.s32 $0xFFFFF000  }
0x1b: {  	[hbm4b:s15+s31] =	stream.linear.scatter [tilespmem:s14], [sflag:$0x3], $0x1000, $0x38;
	[tilespmem:$0x4000] =	vst v63  }
.LBB2_5:
0x1c: {  	s15 =	sadd.s32 $0x20000, s11  }
0x1d: {  	p2 =	sgt.s32 s15, $0x3FFFF  }
0x1e: {  	s15 =	smov.u32 @p2 s3;
	p2 =	sne.s32 s12, s9  }
.Ltmp1:
0x1f: {  	p1 =	slt.u32 s12, $0x2;
	(pc) =	sbr.rel @!p2 .LBB2_6-.Ltmp1, $4  }
0x20: {  	s14 =	simm.s32 @!p1 $0x3  }
0x21: {  	s16 =	sadd.s32 $0x1, s12;
	_ =	swait.ge @!p1 [sflag:s14], $0x1000  }
0x22: {  	s13 =	smov.u32 s11;
	p0 =	por !p0, !p0;
	[sflag:s14] =	ssyncset.done @!p1 $0x0  }
0x23: {  	s12 =	smov.u32 s16;
	s11 =	smov.u32 s15;
	[sflag:s14] =	ssyncadd.s32 @!p1 $0xFFFFF000  }
.LBB2_1:
0x24: {  	p1 =	sge.u32 s12, s8  }
0x25: {  	s14 =	sxor.u32 @!p1 $0xFFFFFFFF, s12  }
0x26: {  	s31 =	sadd.s32 $0xFFFFFFFF, s12;
	s15 =	sshrl.u32 @!p1 s11, $0x3;
	s14 =	sshll.u32 @!p1 s14, $0xC  }
0x27: {  	s16 =	sand.u32 @!p1 $0x7, s11;
	s15 =	sadd.s32 @!p1 s5, s15;
	s14 =	sand.u32 @!p1 $0x1000, s14  }
0x28: {  	[tilespmem:s14], [sflag:$0x2] =	stream.linear.gather @!p1 [hbm4b:s15+s16], $0x1000, $0x38;
	[tilespmem:$0x4000] =	vst v63  }
0x29: {  	p1 =	sge.u32 s31, s8  }
.Ltmp2:
0x2a: {  	_ = 	snop;
	(pc) =	sbr.rel @p1 .LBB2_5-.Ltmp2, $1  }
0x2b: {  	_ =	sdelay $0x3  }
0x2c: {  	s14 =	simm.s32 $0x1  }
0x2d: {  	_ =	swait.ge [sflag:s7], $0x1000;
	s14 =	simm.s32 @!p0 $0x0  }
0x2e: {  	[sflag:s7] =	ssyncset.done $0x0;
	s14 =	sshll.u32 s14, $0xC  }
0x2f: {  	[sflag:s7] =	ssyncadd.s32 $0xFFFFF000;
	(ifvalue) =	ssetifvalue $0x7FFFFFFF;
	v0 =	vld.msk [tilespmem:s14+$0x0 ss:$0x1], $0xffff;
	_ =	sdelay $0x4  }
0x30: {  	s15 =	sadd.s32 $0x10, s14;
	v2 =	vshrl.u32 v0, $0xE;
	v3 =	vshll.u32 v0, $0x7  }
0x31: {  	v1 =	vld.msk [tilespmem:s15+$0x0 ss:$0x1], $0xffff;
	vm1 =	veq.s32 v0, $0x80000000;
	v0 =	vand.u32 $0xF, v2;
	v2 =	vand.u32 $0x1FFF80, v3  }
0x32: {  	v0 =	vsel vm1, $0xFFFFFFFF, v0;
	v2 =	vsel vm1, $0xFFFFFF80, v2  }
0x33: {  	v3 =	vand.u32 $0xFFFFFC00, v2;
	v4 =	vand.u32 $0xFFFFFC00, v0  }
0x34: {  	v2 =	vand.u32 $0x380, v2;
	v3 =	vadd.s32 v4, v3  }
0x35: {  	v0 =	vand.u32 $0x7F, v0;
	v2 =	vor.u32 v2, v3  }
0x36: {  	v5 =	vshll.u32 v1, $0x7;
	v4 =	vshrl.u32 v1, $0xE;
	v0 =	vor.u32 v0, v2  }
0x37: {  	s16 =	sshll.u32 s12, $0xC;
	vm1 =	veq.s32 v1, $0x80000000;
	v1 =	vand.u32 $0xF, v4;
	v4 =	vand.u32 $0x1FFF80, v5  }
0x38: {  	s16 =	sand.u32 $0x1000, s16;
	s18 =	sadd.s32 $0x10, s15;
	v3 =	vsel vm1, $0xFFFFFFFF, v1;
	v4 =	vsel vm1, $0xFFFFFF80, v4  }
0x39: {  	s17 =	simm.s32 $0x20;
	s15 =	sor.u32 $0x2000, s14;
	s14 =	sor.u32 $0x2000, s16;
	v1 =	vld.msk [tilespmem:s18+$0x0 ss:$0x1], $0xffff;
	v5 =	vand.u32 $0xFFFFFC00, v4;
	v6 =	vand.u32 $0xFFFFFC00, v3  }
0x3a: {  	s16 =	sadd.s32 $0x10, s15;
	s18 =	sadd.s32 $0x10, s18;
	(ifvalue) =	ssetifvalue $0x7FFFFFFF;
	v2 =	vand.u32 $0x7F, v3;
	v4 =	vand.u32 $0x380, v4;
	v3 =	vadd.s32 v6, v5  }
.LBB2_3:
0x3b: {  	[tilespmem:s15], [sflag:$0x1] =	stream.indirect_vreg.gather [hbm4b:s4+s10], $0x1, v0, vm0, $0x4038;
	[tilespmem:$0x4000] =	vst v63  }
0x3c: {  	s17 =	sadd.s32 $0x10, s17  }
0x3d: {  	v3 =	vor.u32 v4, v3;
	p1 =	slt.u32 s17, $0xFF0  }
.Ltmp3:
0x3e: {  	v4 =	vshrl.u32 v1, $0xE;
	v5 =	vshll.u32 v1, $0x7;
	s15 =	smov.u32 s16;
	v0 =	vor.u32 v2, v3;
	v2 =	vmovc v1;
	v1 =	vld.msk [tilespmem:s18+$0x0 ss:$0x1], $0xffff;
	(pc) =	sbr.rel @p1 .LBB2_3-.Ltmp3, $4  }
0x3f: {  	v3 =	vand.u32 $0x1FFF80, v5;
	vm1 =	veq.s32 v2, $0x80000000;
	v2 =	vand.u32 $0xF, v4  }
0x40: {  	v4 =	vsel vm1, $0xFFFFFFFF, v2;
	v5 =	vsel vm1, $0xFFFFFF80, v3  }
0x41: {  	v2 =	vand.u32 $0x7F, v4;
	v3 =	vand.u32 $0xFFFFFC00, v5;
	v4 =	vand.u32 $0xFFFFFC00, v4  }
0x42: {  	s16 =	sadd.s32 $0x10, s16;
	s18 =	sadd.s32 $0x10, s18;
	v3 =	vadd.s32 v4, v3;
	v4 =	vand.u32 $0x380, v5;
	(ifvalue) =	ssetifvalue $0x7FFFFFFF  }
.Ltmp4:
0x43: {  	_ = 	snop;
	(pc) =	sbr.rel .LBB2_4-.Ltmp4, $1  }
0x44: {  	_ =	sdelay $0x3  }
.LBB2_6:
0x45: {  	_ =	sfence.sel $0x180000  }
0x46: {  	s2 =	simm.s32 $0x2;
	[bflag:$0x0] =	sbarrier.arrive $0xFFFF  }
0x47: {  	s30 =	simm.s32 $0x3;
	[sflag:s2] =	ssyncpa.u1 $0x1  }
0x48: {  	s31 =	simm.s32 $0x1;
	[sflag:s30] =	ssyncpa.u1 $0x1  }
0x49: {  	[sflag:s31] =	ssyncpa.u1 $0x1  }
0x4a: {  	p0 =	sne.s32 s0, $0x0;
	_ =	strace $0x90000053  }
0x4b: {  	s0 =	sadd.s32 @!p0 $0x100000, s1;
	[bflag:$0x2] =	sbarrier.arrive $0xFFFF  }
0x4c: {  	[sflag:s0] =	ssyncadd.tile.s32 @!p0 $0x1;
	_ =	shalt  }
.Lfunc_end2:
_tile_overlayer_lowered:
.L_overlay_start_2:
0x4d: {  	(tag) =	ssettag $0x2  }
0x4e: {  	s0 =	rddreg [dreg:$0x0];
	s2 =	stileid.u32  }
0x4f: {  	s1 =	rddreg [dreg:$0x1];
	p0 =	sne.s32 s2, $0x0  }
0x50: {  	s3 =	rddreg [dreg:$0x2];
	[bflag:$0x3] =	sbarrier.arrive $0xFFFF;
	s2 =	simm.s32 @!p0 $0x1C01  }
0x51: {  	[timem:s3], [sflag:s2] =	dma.local @!p0 [hbm:s0], s1  }
0x52: {  	s0 =	simm.s32 @!p0 $0x1  }
0x53: {  	_ =	swait.ge @!p0 [sflag:s0], s1  }
0x54: {  	s1 =	ssub.s32 @!p0 $0x0, s1;
	[sflag:s0] =	ssyncset.done @!p0 $0x0  }
0x55: {  	[sflag:s0] =	ssyncadd.s32 @!p0 s1  }
0x56: {  	[bflag:$0x3] =	sbarrier.arrive $0xFFFF  }
0x57: {  	_ =	shalt  }

// kernel: gather_offload_async_start
scs
__scs_entry_jumppad:
0x0: {  	(pc) =	sbr.rel $0x88, $3  }
0x1: {  	(tag) =	ssettag $0x0;
	lr =	simm.s32 $0x1  }
0x2: {  	[smem:$0x3F9D] =	sst lr;
	_ =	strace $0xD0000000  }
0x3: {  	_ = 	snop  }
0x4: {  	_ = 	snop  }
0x5: {  	_ = 	snop  }
0x6: {  	_ = 	snop  }
0x7: {  	_ = 	snop  }
__scs_overlays_trampoline_lowered:
0x8: {  	[smem:$0x3FAC] =	sst s0  }
0x9: {  	[smem:$0x3FAD] =	sst s1  }
0xa: {  	[smem:$0x3FAE] =	sst s2  }
0xb: {  	[smem:$0x3FAF] =	sst s3  }
0xc: {  	[smem:$0x3FB0] =	sst s4  }
0xd: {  	[smem:$0x3FB1] =	sst s5  }
0xe: {  	[smem:$0x3FB2] =	sst s6  }
0xf: {  	[smem:$0x3FB3] =	sst s7  }
0x10: {  	[smem:$0x3FB4] =	sst s8  }
0x11: {  	[smem:$0x3FB5] =	sst s9;
	s0 =	simm.s32 @!p0 $0x0  }
0x12: {  	s1 =	sld [smem:$0x3F9B];
	s0 =	simm.s32 @p0 $0x1  }
0x13: {  	[smem:$0x3FB6] =	sst s0;
	s0 =	simm.s32 @!p1 $0x0  }
0x14: {  	s2 =	sld [smem:$0x3F9A];
	s0 =	simm.s32 @p1 $0x1  }
0x15: {  	[smem:$0x3FB7] =	sst s0;
	s0 =	simm.s32 @!p2 $0x0  }
0x16: {  	s3 =	sld [smem:$0x3FDB];
	s0 =	simm.s32 @p2 $0x1  }
0x17: {  	s4 =	simm.s32 $0x1BF5;
	[smem:$0x3FB9] =	sst s0  }
0x18: {  	s0 =	sld [smem:$0x3F9C];
	_ =	swait.ge [sflag:s4], $0x0  }
0x19: {  	s7 =	sld [smem:$0x3F9D]  }
0x1a: {  	s8 =	sadd.s32 $0xFFFFE003, lr  }
0x1b: {  	s9 =	sadd.s32 $0xFFFFFEF7, lr;
	s5 =	simm.s32 $0xFFFFFFFF;
	p2 =	slt.u32 s8, $0xFFFFF086  }
0x1c: {  	p1 =	slt.u32 s9, $0xF7A;
	s5 =	simm.s32 @!p2 $0x0  }
0x1d: {  	s5 =	simm.s32 @p1 $0x1;
	p0 =	seq.s32 s7, s2  }
0x1e: {  	s7 =	smul.u32 @!p0 $0xF7A, s2;
	p2 =	seq.s32 @!p0 s5, $0x0  }
0x1f: {  	s9 =	smul.u32 $0xF7A, s1;
	s8 =	simm.s32 @!p0 $0x1BF5;
	p2 =	por !p2, p0  }
0x20: {  	[sflag:s8] =	ssyncset.s32 @!p0 $0xFFFFF086;
	s6 =	sadd.s32 @!p0 s3, s7;
	s7 =	simm.s32 @!p0 $0x108  }
0x21: {  	s3 =	sadd.s32 s3, s9;
	s6 =	sadd.s32 @!p0 $0x88, s6;
	s7 =	simm.s32 @p2 $0x1082  }
0x22: {  	[simem:s7], [sflag:s8] =	dma.local @!p0 [hbm:s6], $0xF7A  }
0x23: {  	s9 =	sor.u32 $0xD0000000, s2;
	s6 =	simm.s32 $0x108;
	_ =	swait.ge @!p0 [sflag:s8], $0x0  }
0x24: {  	s3 =	sadd.s32 $0x88, s3;
	s6 =	simm.s32 @!p1 $0x1082;
	[sflag:s4] =	ssyncset.s32 $0xFFFFF086  }
0x25: {  	[simem:s6], [sflag:s4] =	dma.local [hbm:s3], $0xF7A  }
0x26: {  	[smem:$0x3F9D] =	sst s1;
	(tag) =	ssettag s2;
	_ =	strace s9  }
0x27: {  	s1 =	sld [smem:$0x3FAD]  }
0x28: {  	s2 =	sld [smem:$0x3FAE]  }
0x29: {  	s4 =	sld [smem:$0x3FB0]  }
0x2a: {  	p0 =	seq.s32 s5, $0x0;
	s5 =	sld [smem:$0x3FB1]  }
0x2b: {  	s6 =	sld [smem:$0x3FB2]  }
0x2c: {  	s7 =	sld [smem:$0x3FB3]  }
0x2d: {  	s3 =	simm.s32 $0x108;
	s8 =	sld [smem:$0x3FB4]  }
0x2e: {  	s3 =	simm.s32 @!p0 $0x1082;
	s9 =	sld [smem:$0x3FB5]  }
0x2f: {  	lr =	sadd.s32 s0, s3;
	s0 =	sld [smem:$0x3FAC]  }
0x30: {  	s3 =	sld [smem:$0x3FAF]  }
0x31: {  	[smem:$0x3FB8] =	sst s10  }
0x32: {  	s10 =	sld [smem:$0x3FB6];
	_ =	sdelay $0x3  }
0x33: {  	p0 =	seq.s32 s10, $0x1;
	s10 =	sld [smem:$0x3FB8];
	_ =	sdelay $0x3  }
0x34: {  	[smem:$0x3FB8] =	sst s10  }
0x35: {  	s10 =	sld [smem:$0x3FB7];
	_ =	sdelay $0x3  }
0x36: {  	p1 =	seq.s32 s10, $0x1;
	s10 =	sld [smem:$0x3FB8];
	_ =	sdelay $0x3  }
0x37: {  	[smem:$0x3FB8] =	sst s10  }
0x38: {  	s10 =	sld [smem:$0x3FB9]  }
0x39: {  	_ = 	snop;
	(pc) =	sbr.ind lr, $3  }
0x3a: {  	_ = 	snop  }
0x3b: {  	_ = 	snop  }
0x3c: {  	p2 =	seq.s32 s10, $0x1;
	s10 =	sld [smem:$0x3FB8]  }
0x3d: {  	_ =	shalt  }
0x3e: {  	_ =	shalt  }
0x3f: {  	_ =	shalt  }
0x40: {  	_ =	shalt  }
0x41: {  	_ =	shalt  }
0x42: {  	_ =	shalt  }
0x43: {  	_ =	shalt  }
0x44: {  	_ =	shalt  }
0x45: {  	_ =	shalt  }
0x46: {  	_ =	shalt  }
0x47: {  	_ =	shalt  }
0x48: {  	_ =	shalt  }
0x49: {  	_ =	shalt  }
0x4a: {  	_ =	shalt  }
0x4b: {  	_ =	shalt  }
0x4c: {  	_ =	shalt  }
0x4d: {  	_ =	shalt  }
0x4e: {  	_ =	shalt  }
0x4f: {  	_ =	shalt  }
0x50: {  	_ =	shalt  }
0x51: {  	_ =	shalt  }
0x52: {  	_ =	shalt  }
0x53: {  	_ =	shalt  }
0x54: {  	_ =	shalt  }
0x55: {  	_ =	shalt  }
0x56: {  	_ =	shalt  }
0x57: {  	_ =	shalt  }
0x58: {  	_ =	shalt  }
0x59: {  	_ =	shalt  }
0x5a: {  	_ =	shalt  }
0x5b: {  	_ =	shalt  }
0x5c: {  	_ =	shalt  }
0x5d: {  	_ =	shalt  }
0x5e: {  	_ =	shalt  }
0x5f: {  	_ =	shalt  }
0x60: {  	_ =	shalt  }
0x61: {  	_ =	shalt  }
0x62: {  	_ =	shalt  }
0x63: {  	_ =	shalt  }
0x64: {  	_ =	shalt  }
0x65: {  	_ =	shalt  }
0x66: {  	_ =	shalt  }
0x67: {  	_ =	shalt  }
0x68: {  	_ =	shalt  }
0x69: {  	_ =	shalt  }
0x6a: {  	_ =	shalt  }
0x6b: {  	_ =	shalt  }
0x6c: {  	_ =	shalt  }
0x6d: {  	_ =	shalt  }
0x6e: {  	_ =	shalt  }
0x6f: {  	_ =	shalt  }
0x70: {  	_ =	shalt  }
0x71: {  	_ =	shalt  }
0x72: {  	_ =	shalt  }
0x73: {  	_ =	shalt  }
0x74: {  	_ =	shalt  }
0x75: {  	_ =	shalt  }
0x76: {  	_ =	shalt  }
0x77: {  	_ =	shalt  }
0x78: {  	_ =	shalt  }
0x79: {  	_ =	shalt  }
0x7a: {  	_ =	shalt  }
0x7b: {  	_ =	shalt  }
0x7c: {  	_ =	shalt  }
0x7d: {  	_ =	shalt  }
0x7e: {  	_ =	shalt  }
0x7f: {  	_ =	shalt  }
0x80: {  	_ =	shalt  }
0x81: {  	_ =	shalt  }
0x82: {  	_ =	shalt  }
0x83: {  	_ =	shalt  }
0x84: {  	_ =	shalt  }
0x85: {  	_ =	shalt  }
0x86: {  	_ =	shalt  }
0x87: {  	_ =	shalt  }
.Lfunc_end0:
.L_simem_size_0:
called_computation_lowered:
.L_overlay_start_0:
0x88: {  	s2 =	sld [smem:$0x3FD9]  }
0x89: {  	s3 =	sld [smem:$0x3FFE];
	_ =	sdelay $0x1  }
0x8a: {  	s1 =	srdreg.scid  }
0x8b: {  	s0 =	sand.u32 $0x1, s1  }
0x8c: {  	s14 =	sshll.u32 s0, $0xA;
	s2 =	sadd.s32 s3, s2  }
0x8d: {  	s2 =	sadd.s32 s2, s14  }
0x8e: {  	[smem:$0x3FC4] =	sst s2  }
0x8f: {  	_ = 	snop  }
0x90: {  	s2 =	sld [smem:$0x3FD0];
	_ =	sdelay $0x2  }
0x91: {  	s15 =	simm.s32 $0xA;
	s4 =	simm.s32 $0x10  }
0x92: {  	[smem:s4], [sflag:s15] =	dma.local [hbm:s2], $0x1  }
0x93: {  	_ =	swait.eq [sflag:s15], $0x1  }
0x94: {  	[sflag:s15] =	ssyncset.done $0x0  }
0x95: {  	s16 =	sld [smem:$0x11];
	[sflag:s15] =	ssyncadd.s32 $0xFFFFFFFF  }
0x96: {  	s17 =	sld [smem:$0x13];
	(tm) =	ssettm $0x1  }
0x97: {  	s18 =	sld [smem:$0x3FFB];
	_ =	sdelay $0x3  }
0x98: {  	_ =	strace s18  }
0x99: {  	s4 =	sld [smem:$0x3FFC];
	_ =	sdelay $0x3  }
0x9a: {  	_ =	strace s4  }
0x9b: {  	s4 =	sld [smem:$0x3FFD];
	_ =	sdelay $0x3  }
0x9c: {  	_ =	strace s4  }
0x9d: {  	_ =	strace $0x8FFFFFFF  }
0x9e: {  	s19 =	sld [smem:$0x3FDB];
	_ =	sdelay $0x1  }
0x9f: {  	s5 =	simm.s32 $_scs_section_size  }
0xa0: {  	s6 =	simm.s32 $_size__tile_overlayer_lowered;
	s7 =	simm.s32 $_tile_overlayer_lowered  }
0xa1: {  	s22 =	simm.s32 $0x1BFF;
	s21 =	sshll.u32 s7, $0x1;
	s4 =	sadd.s32 s5, s19  }
0xa2: {  	s8 =	simm.s32 $0x0;
	s20 =	sshll.u32 s6, $0x1;
	s6 =	sadd.s32 s21, s4  }
0xa3: {  	[timem:s8], [sflag:s22] =	dma.local [hbm:s6], s20  }
0xa4: {  	_ =	swait.ge [sflag:s22], s20  }
0xa5: {  	s5 =	ssub.s32 $0x0, s20;
	[sflag:s22] =	ssyncset.done $0x0  }
0xa6: {  	[sflag:s22] =	ssyncadd.s32 s5;
	_ =	sdelay $0x1  }
0xa7: {  	s23 =	simm.s32 $0x1B8B  }
0xa8: {  	_ =	swait.ge [sflag:s23], $0x1  }
0xa9: {  	[sflag:s23] =	ssyncset.done $0x0  }
0xaa: {  	s25 =	simm.s32 $0x1B8E;
	s24 =	sld [smem:$0x3FFE];
	[sflag:s23] =	ssyncadd.s32 $0xFFFFFFFF  }
0xab: {  	s26 =	simm.s32 $execute0_lowered;
	[smem:$0x3FD2] =	sst s25  }
0xac: {  	s6 =	sshll.u32 s26, $0x1;
	_ =	strace $0x80000046;
	[dreg:$0x1] =	wrdreg $0xFFFFFFFF  }
0xad: {  	s28 =	simm.s32 $_size_execute0_lowered;
	s4 =	sadd.s32 s4, s6;
	[dreg:$0x0] =	wrdreg $0x0  }
0xae: {  	s6 =	sshll.u32 s28, $0x1;
	[dreg:$0x2] =	wrdreg s4  }
0xaf: {  	[dreg:$0x3] =	wrdreg s6  }
0xb0: {  	[dreg:$0x4] =	wrdreg $0xC0  }
0xb1: {  	_ =	task [dreg:s8], $0x5FFFF  }
0xb2: {  	[dreg:$0x1] =	wrdreg $0xFFFFFFFF  }
0xb3: {  	[dreg:$0x0] =	wrdreg $0x60  }
0xb4: {  	[dreg:$0x2] =	wrdreg s24  }
0xb5: {  	[dreg:$0x3] =	wrdreg s17  }
0xb6: {  	[dreg:$0x4] =	wrdreg s16  }
0xb7: {  	[dreg:$0x5] =	wrdreg $0x9  }
0xb8: {  	_ =	task.clear_ibuf [dreg:s8], $0x6FFFF;
	_ =	strace $0x90000046  }
0xb9: {  	s29 =	simm.s32 $0x9;
	_ =	strace $0x80000048  }
0xba: {  	_ =	swait.ge [sflag:s29], $0x1  }
0xbb: {  	[sflag:s29] =	ssyncadd.s32 $0xFFFFFFFF  }
0xbc: {  	_ =	strace $0x90000048  }
0xbd: {  	_ =	sfence  }
0xbe: {  	s30 =	sld [smem:$0x0];
	_ =	sdelay $0x2  }
0xbf: {  	s31 =	sshll.u32 s1, $0xD;
	s1 =	sshrl.u32 s1, $0x2  }
0xc0: {  	s3 =	sand.u32 $0x4000, s31;
	s1 =	sadd.s32 s1, s30  }
0xc1: {  	s0 =	sor.u32 s3, s0;
	s1 =	sshll.u32 s1, $0x11  }
0xc2: {  	s0 =	sor.u32 s1, s0  }
0xc3: {  	s0 =	sadd.s32 $0x8F2B, s0  }
0xc4: {  	[sflag:s0] =	ssyncadd.remote.s32 $0x1  }
0xc5: {  	_ =	sfence.sel $0xFFFF  }
0xc6: {  	[dreg:$0x0] =	wrdreg $0xFFFFFFFF;
	(pc) =	sbr.abs _section_cstart, $3  }
0xc7: {  	[dreg:$0x1] =	wrdreg $0xFFFFFFFF  }
0xc8: {  	_ =	task.clear_ibuf [dreg:s8], $0x2FFFF;
	_ =	strace $0x9FFFFFFF  }
0xc9: {  	(tm) =	ssettm $0x7FFFFFFF  }
tec
execute0_lowered:
.L_overlay_start_1:
0x0: {  	(tag) =	ssettag $0x1  }
0x1: {  	s5 =	rddreg [dreg:$0x0]  }
0x2: {  	s1 =	srdreg.scid;
	s2 =	rddreg [dreg:$0x1]  }
0x3: {  	s0 =	stileid.u32;
	s3 =	rddreg [dreg:$0x2]  }
0x4: {  	s9 =	simm.s32 $0x1;
	s10 =	simm.s32 $0x3;
	s1 =	sshll.u32 s1, $0xC  }
0x5: {  	s13 =	simm.s32 $0x0;
	s4 =	sshll.u32 s0, $0xD;
	s6 =	sand.u32 $0x1000, s1  }
0x6: {  	s12 =	simm.s32 $0x0;
	s5 =	sadd.s32 $0x200000, s5;
	s4 =	sor.u32 s4, s6  }
0x7: {  	s1 =	rddreg [dreg:$0x3];
	_ =	strace $0x80000047;
	s8 =	ssub.s32 $0x40000, s4  }
.Ltmp0:
0x8: {  	s6 =	simm.s32 $0x1;
	s7 =	sand.u32 $0x1F000, s8;
	(pc) =	sbr.rel .LBB2_1-.Ltmp0, $4  }
0x9: {  	[sflag:s6] =	ssyncpa.u1 $0x0;
	s11 =	smov.u32 s4;
	p0 =	sne.s32 s7, $0x0  }
0xa: {  	s8 =	sshrl.u32 s8, $0x11;
	s7 =	simm.s32 $0x2;
	s9 =	simm.s32 @!p0 $0x0  }
0xb: {  	[sflag:s7] =	ssyncpa.u1 $0x0;
	p0 =	por $0x0, $0x0;
	s8 =	sadd.s32 s9, s8  }
0xc: {  	vm0 =	vmmov $0xffff;
	[sflag:s10] =	ssyncpa.u1 $0x0;
	s10 =	simm.s32 $0x0;
	s9 =	sadd.s32 $0x1, s8  }
.LBB2_4:
0xd: {  	vm1 =	veq.s32 v0, $0x80000000;
	v63 =	vand.u32 $0x3FFF, v0;
	v2 =	vand.u32 $0x3FF, v2  }
0xe: {  	v0 =	vsel vm1, $0xFFFFFFFF, v63;
	v2 =	vsel vm1, $0xFFFFFFFF, v2  }
0xf: {  	v3 =	vshll.u32 v0, $0xA;
	v4 =	vshll.u32 v2, $0x3  }
0x10: {  	v0 =	vshll.u32 v0, $0x7;
	v3 =	vand.u32 $0xFFFFE000, v3;
	v4 =	vand.u32 $0xFFFFFC00, v4  }
0x11: {  	v0 =	vand.u32 $0x380, v0;
	v3 =	vadd.s32 v3, v4  }
0x12: {  	v2 =	vand.u32 $0x7F, v2;
	v0 =	vor.u32 v0, v3  }
0x13: {  	v0 =	vor.u32 v2, v0;
	_ =	sdelay $0x1  }
0x14: {  	(ifvalue) =	ssetifvalue $0x7FFFFFFF;
	s14 =	sadd.s32 $0x10, s14  }
0x15: {  	[tilespmem:s14], [sflag:$0x1] =	stream.indirect_vreg.gather [hbm4b:s5+s10], $0x1, v1, vm0, $0x4038;
	[tilespmem:$0x4000] =	vst v63  }
0x16: {  	(ifvalue) =	ssetifvalue $0x7FFFFFFF;
	s14 =	sadd.s32 $0x10, s14  }
0x17: {  	[tilespmem:s14], [sflag:$0x1] =	stream.indirect_vreg.gather [hbm4b:s5+s10], $0x1, v0, vm0, $0x4038;
	[tilespmem:$0x4000] =	vst v63  }
0x18: {  	_ =	swait.ge [sflag:s6], $0x1000  }
0x19: {  	s30 =	sshrl.u32 s13, $0x3;
	[sflag:s6] =	ssyncset.done $0x0  }
0x1a: {  	s31 =	sand.u32 $0x7, s13;
	s14 =	sadd.s32 s3, s30;
	[sflag:s6] =	ssyncadd.s32 $0xFFFFF000  }
0x1b: {  	[hbm4b:s14+s31] =	stream.linear.scatter [tilespmem:s15], [sflag:$0x3], $0x1000, $0x38;
	[tilespmem:$0x4000] =	vst v63  }
.LBB2_5:
0x1c: {  	s15 =	sadd.s32 $0x20000, s11  }
0x1d: {  	p2 =	sgt.s32 s15, $0x3FFFF  }
0x1e: {  	s15 =	smov.u32 @p2 s4;
	p2 =	sne.s32 s12, s9  }
.Ltmp1:
0x1f: {  	p1 =	slt.u32 s12, $0x2;
	(pc) =	sbr.rel @!p2 .LBB2_6-.Ltmp1, $4  }
0x20: {  	s14 =	simm.s32 @!p1 $0x3  }
0x21: {  	s16 =	sadd.s32 $0x1, s12;
	_ =	swait.ge @!p1 [sflag:s14], $0x1000  }
0x22: {  	s13 =	smov.u32 s11;
	p0 =	por !p0, !p0;
	[sflag:s14] =	ssyncset.done @!p1 $0x0  }
0x23: {  	s12 =	smov.u32 s16;
	s11 =	smov.u32 s15;
	[sflag:s14] =	ssyncadd.s32 @!p1 $0xFFFFF000  }
.LBB2_1:
0x24: {  	p1 =	sge.u32 s12, s8  }
0x25: {  	s14 =	sxor.u32 @!p1 $0xFFFFFFFF, s12  }
0x26: {  	s31 =	sadd.s32 $0xFFFFFFFF, s12;
	s15 =	sshrl.u32 @!p1 s11, $0x3;
	s14 =	sshll.u32 @!p1 s14, $0xC  }
0x27: {  	s16 =	sand.u32 @!p1 $0x7, s11;
	s15 =	sadd.s32 @!p1 s2, s15;
	s14 =	sand.u32 @!p1 $0x1000, s14  }
0x28: {  	[tilespmem:s14], [sflag:$0x2] =	stream.linear.gather @!p1 [hbm4b:s15+s16], $0x1000, $0x38;
	[tilespmem:$0x4000] =	vst v63  }
0x29: {  	p1 =	sge.u32 s31, s8  }
.Ltmp2:
0x2a: {  	_ = 	snop;
	(pc) =	sbr.rel @p1 .LBB2_5-.Ltmp2, $1  }
0x2b: {  	_ =	sdelay $0x3  }
0x2c: {  	s14 =	simm.s32 $0x1  }
0x2d: {  	_ =	swait.ge [sflag:s7], $0x1000;
	s14 =	simm.s32 @!p0 $0x0  }
0x2e: {  	[sflag:s7] =	ssyncset.done $0x0;
	s14 =	sshll.u32 s14, $0xC  }
0x2f: {  	[sflag:s7] =	ssyncadd.s32 $0xFFFFF000;
	(ifvalue) =	ssetifvalue $0x7FFFFFFF;
	v0 =	vld.msk [tilespmem:s14+$0x0 ss:$0x1], $0xffff;
	_ =	sdelay $0x3  }
0x30: {  	s15 =	sadd.s32 $0x10, s14  }
0x31: {  	v2 =	vld.msk [tilespmem:s15+$0x0 ss:$0x1], $0xffff;
	v1 =	vshrl.u32 v0, $0xE  }
0x32: {  	vm1 =	veq.s32 v0, $0x80000000;
	v0 =	vand.u32 $0x3FFF, v0;
	v1 =	vand.u32 $0x3FF, v1  }
0x33: {  	v0 =	vsel vm1, $0xFFFFFFFF, v0;
	v1 =	vsel vm1, $0xFFFFFFFF, v1  }
0x34: {  	v3 =	vshll.u32 v0, $0xA;
	v4 =	vshll.u32 v1, $0x3  }
0x35: {  	v0 =	vshll.u32 v0, $0x7;
	v3 =	vand.u32 $0xFFFFE000, v3;
	v4 =	vand.u32 $0xFFFFFC00, v4  }
0x36: {  	vm1 =	veq.s32 v2, $0x80000000;
	v0 =	vand.u32 $0x380, v0;
	v3 =	vadd.s32 v3, v4  }
0x37: {  	v1 =	vand.u32 $0x7F, v1;
	v0 =	vor.u32 v0, v3;
	v3 =	vshrl.u32 v2, $0xE  }
0x38: {  	s17 =	sadd.s32 $0x10, s15;
	v2 =	vand.u32 $0x3FFF, v2;
	v1 =	vor.u32 v1, v0;
	v3 =	vand.u32 $0x3FF, v3  }
0x39: {  	v0 =	vld.msk [tilespmem:s17+$0x0 ss:$0x1], $0xffff;
	v2 =	vsel vm1, $0xFFFFFFFF, v2;
	v3 =	vsel vm1, $0xFFFFFFFF, v3  }
0x3a: {  	v63 =	vshll.u32 v2, $0xA;
	v5 =	vshll.u32 v3, $0x3  }
0x3b: {  	s31 =	sshll.u32 s12, $0xC;
	v2 =	vshll.u32 v2, $0x7;
	v4 =	vand.u32 $0xFFFFE000, v63;
	v5 =	vand.u32 $0xFFFFFC00, v5  }
0x3c: {  	s14 =	sor.u32 $0x2000, s14;
	s15 =	sand.u32 $0x1000, s31;
	(ifvalue) =	ssetifvalue $0x7FFFFFFF;
	v2 =	vand.u32 $0x380, v2;
	v4 =	vadd.s32 v4, v5  }
0x3d: {  	[tilespmem:s14], [sflag:$0x1] =	stream.indirect_vreg.gather [hbm4b:s5+s10], $0x1, v1, vm0, $0x4038;
	v1 =	vand.u32 $0x7F, v3;
	v3 =	vor.u32 v2, v4;
	[tilespmem:$0x4000] =	vst v63  }
0x3e: {  	s16 =	simm.s32 $0x20;
	s15 =	sor.u32 $0x2000, s15;
	s17 =	sadd.s32 $0x10, s17;
	v2 =	vshrl.u32 v0, $0xE;
	v1 =	vor.u32 v1, v3  }
.LBB2_3:
0x3f: {  	s16 =	sadd.s32 $0x10, s16;
	vm1 =	veq.s32 v0, $0x80000000;
	v3 =	vand.u32 $0x3FFF, v0;
	v0 =	vld.msk [tilespmem:s17+$0x0 ss:$0x1], $0xffff;
	v2 =	vand.u32 $0x3FF, v2  }
0x40: {  	p1 =	slt.u32 s16, $0xFF0;
	v3 =	vsel vm1, $0xFFFFFFFF, v3;
	v2 =	vsel vm1, $0xFFFFFFFF, v2  }
.Ltmp3:
0x41: {  	v4 =	vshll.u32 v3, $0xA;
	v5 =	vshll.u32 v2, $0x3;
	(pc) =	sbr.rel @p1 .LBB2_3-.Ltmp3, $4  }
0x42: {  	s14 =	sadd.s32 $0x10, s14;
	v3 =	vshll.u32 v3, $0x7;
	v4 =	vand.u32 $0xFFFFE000, v4;
	v5 =	vand.u32 $0xFFFFFC00, v5;
	(ifvalue) =	ssetifvalue $0x7FFFFFFF  }
0x43: {  	v3 =	vand.u32 $0x380, v3;
	v4 =	vadd.s32 v4, v5;
	[tilespmem:s14], [sflag:$0x1] =	stream.indirect_vreg.gather [hbm4b:s5+s10], $0x1, v1, vm0, $0x4038;
	[tilespmem:$0x4000] =	vst v63  }
0x44: {  	v1 =	vand.u32 $0x7F, v2;
	v3 =	vor.u32 v3, v4  }
0x45: {  	s17 =	sadd.s32 $0x10, s17;
	v2 =	vshrl.u32 v0, $0xE;
	v1 =	vor.u32 v1, v3  }
.Ltmp4:
0x46: {  	_ = 	snop;
	(pc) =	sbr.rel .LBB2_4-.Ltmp4, $1  }
0x47: {  	_ =	sdelay $0x3  }
.LBB2_6:
0x48: {  	_ =	sfence.sel $0x180000  }
0x49: {  	s2 =	simm.s32 $0x2;
	[bflag:$0x0] =	sbarrier.arrive $0xFFFF  }
0x4a: {  	s30 =	simm.s32 $0x3;
	[sflag:s2] =	ssyncpa.u1 $0x1  }
0x4b: {  	s31 =	simm.s32 $0x1;
	[sflag:s30] =	ssyncpa.u1 $0x1  }
0x4c: {  	[sflag:s31] =	ssyncpa.u1 $0x1  }
0x4d: {  	p0 =	sne.s32 s0, $0x0;
	_ =	strace $0x90000047  }
0x4e: {  	s0 =	sadd.s32 @!p0 $0x100000, s1;
	[bflag:$0x2] =	sbarrier.arrive $0xFFFF  }
0x4f: {  	[sflag:s0] =	ssyncadd.tile.s32 @!p0 $0x1;
	_ =	shalt  }
.Lfunc_end2:
_tile_overlayer_lowered:
.L_overlay_start_2:
0x50: {  	(tag) =	ssettag $0x2  }
0x51: {  	s0 =	rddreg [dreg:$0x0];
	s2 =	stileid.u32  }
0x52: {  	s1 =	rddreg [dreg:$0x1];
	p0 =	sne.s32 s2, $0x0  }
0x53: {  	s3 =	rddreg [dreg:$0x2];
	[bflag:$0x3] =	sbarrier.arrive $0xFFFF;
	s2 =	simm.s32 @!p0 $0x1C01  }
0x54: {  	[timem:s3], [sflag:s2] =	dma.local @!p0 [hbm:s0], s1  }
0x55: {  	s0 =	simm.s32 @!p0 $0x1  }
0x56: {  	_ =	swait.ge @!p0 [sflag:s0], s1  }
0x57: {  	s1 =	ssub.s32 @!p0 $0x0, s1;
	[sflag:s0] =	ssyncset.done @!p0 $0x0  }
0x58: {  	[sflag:s0] =	ssyncadd.s32 @!p0 s1  }
0x59: {  	[bflag:$0x3] =	sbarrier.arrive $0xFFFF  }
0x5a: {  	_ =	shalt  }

</sc_bundles>
